<compile_context>
chip_gen: v7x
topology: tpu7x:2x2x1
jax: 0.10.2.dev20260603
libtpu: 0.0.44.dev20260713+nightly
codegen_flags: <defaults>
</compile_context>

<pallas_src>
import functools

import jax
import jax.numpy as jnp
from jax import lax
from jax.experimental import pallas as pl
from jax.experimental.pallas import tpu as pltpu
from jax.experimental.pallas import tpu_sc as plsc

M_ITEMS = 4000
D_FEAT = 256
K_TOP = 20
N_USERS = 6000
B_ROWS = 400

E_OLD = 320000
E_NEW = M_ITEMS * K_TOP
E_OUT = E_OLD + 2 * E_NEW

_NC, _NS = 2, 16
_NW = _NC * _NS
_PER_OLD = E_OLD // _NW
_NW_NEW = 16
_PER_NEW = E_NEW // _NW_NEW
_C_OLD = (E_OLD // _NW) // 128 * 128
_R_OLD = E_OLD - _NW * _C_OLD
_C_NEW = (E_NEW // _NW_NEW) // 128 * 128
_R_NEW = E_NEW - _NW_NEW * _C_NEW


def _emb_kernel(x_ref, w0_ref, w1_ref, out_ref):
    x = x_ref[...]
    h = jnp.maximum(x * w0_ref[...], 0.0) * w1_ref[...]
    norm = jnp.sqrt(jnp.sum(h * h, axis=1, keepdims=True))
    out_ref[...] = h / (norm + 1e-8)


def _topk_kernel(b_ref, emb_blk_ref, emb_all_ref, cols_ref, w_ref, rows_ref):
    i = pl.program_id(0)
    a = emb_blk_ref[...]
    bm = emb_all_ref[...]
    sim = jax.lax.dot_general(a, bm, (((1,), (1,)), ((), ())),
                              preferred_element_type=jnp.float32)
    col = jax.lax.broadcasted_iota(jnp.int32, sim.shape, 1)
    fcol = (M_ITEMS - col).astype(jnp.float32)
    f0 = jnp.float32(0.0)
    neg = jnp.float32(-jnp.inf)
    vs, fs = [], []
    for t in range(K_TOP):
        m = jnp.max(sim, axis=1, keepdims=True)
        fc = jnp.where(sim == m, fcol, f0)
        fmax = jnp.max(fc, axis=1, keepdims=True)
        vs.append(m)
        fs.append(fmax)
        if t + 1 < K_TOP:
            sim = jnp.where(fc == fmax, neg, sim)
    vals = jnp.concatenate(vs, axis=1)
    idx = M_ITEMS - jnp.concatenate(fs, axis=1).astype(jnp.int32)
    thr = b_ref[0, 0]
    cols_ref[...] = idx + N_USERS
    w_ref[...] = jnp.where(vals >= thr, vals, jnp.zeros_like(vals))
    row_ids = jax.lax.broadcasted_iota(jnp.int32, (B_ROWS, K_TOP), 0)
    rows_ref[...] = row_ids + (N_USERS + i * B_ROWS)


def _asm_body(gi, gv, rows_f, cols_f, w_f, oi, ov,
              b_old, b_rc, b_cr, b_on, b_w,
              sem_oi, sem_oo, sem_ni, sem_no):
    wid = lax.axis_index("s") * _NC + lax.axis_index("c")
    ob2 = wid * _C_OLD
    ob1 = wid * _PER_OLD
    h1 = pltpu.async_copy(gi.at[:, pl.ds(ob2, _C_OLD)], b_old, sem_oi)
    h2 = pltpu.async_copy(gv.at[pl.ds(ob1, _PER_OLD)], b_on, sem_oi)

    @pl.when(wid < _NW_NEW)
    def _new_edges():
        nb2 = wid * _C_NEW
        nb1 = wid * _PER_NEW
        h3 = pltpu.async_copy(rows_f.at[pl.ds(nb2, _C_NEW)], b_rc.at[0], sem_ni)
        h4 = pltpu.async_copy(cols_f.at[pl.ds(nb2, _C_NEW)], b_rc.at[1], sem_ni)
        h5 = pltpu.async_copy(cols_f.at[pl.ds(nb2, _C_NEW)], b_cr.at[0], sem_ni)
        h6 = pltpu.async_copy(rows_f.at[pl.ds(nb2, _C_NEW)], b_cr.at[1], sem_ni)
        h7 = pltpu.async_copy(w_f.at[pl.ds(nb1, _PER_NEW)], b_w, sem_ni)
        h3.wait()
        h4.wait()
        h5.wait()
        h6.wait()
        h7.wait()
        s3 = pltpu.async_copy(b_rc, oi.at[:, pl.ds(E_OLD + nb2, _C_NEW)], sem_no)
        s4 = pltpu.async_copy(
            b_cr, oi.at[:, pl.ds(E_OLD + E_NEW + nb2, _C_NEW)], sem_no)
        s5 = pltpu.async_copy(b_w, ov.at[pl.ds(E_OLD + nb1, _PER_NEW)], sem_no)
        s6 = pltpu.async_copy(
            b_w, ov.at[pl.ds(E_OLD + E_NEW + nb1, _PER_NEW)], sem_no)
        s3.wait()
        s4.wait()
        s5.wait()
        s6.wait()

    @pl.when(wid == _NW_NEW)
    def _new_remainder():
        nb2 = _NW_NEW * _C_NEW
        r = _R_NEW
        h3 = pltpu.async_copy(rows_f.at[pl.ds(nb2, r)], b_rc.at[0, pl.ds(0, r)],
                              sem_ni)
        h4 = pltpu.async_copy(cols_f.at[pl.ds(nb2, r)], b_rc.at[1, pl.ds(0, r)],
                              sem_ni)
        h5 = pltpu.async_copy(cols_f.at[pl.ds(nb2, r)], b_cr.at[0, pl.ds(0, r)],
                              sem_ni)
        h6 = pltpu.async_copy(rows_f.at[pl.ds(nb2, r)], b_cr.at[1, pl.ds(0, r)],
                              sem_ni)
        h3.wait()
        h4.wait()
        h5.wait()
        h6.wait()
        s3 = pltpu.async_copy(b_rc.at[:, pl.ds(0, r)],
                              oi.at[:, pl.ds(E_OLD + nb2, r)], sem_no)
        s4 = pltpu.async_copy(b_cr.at[:, pl.ds(0, r)],
                              oi.at[:, pl.ds(E_OLD + E_NEW + nb2, r)], sem_no)
        s3.wait()
        s4.wait()

    h1.wait()
    h2.wait()
    s1 = pltpu.async_copy(b_old, oi.at[:, pl.ds(ob2, _C_OLD)], sem_oo)
    s2 = pltpu.async_copy(b_on, ov.at[pl.ds(ob1, _PER_OLD)], sem_oo)
    s1.wait()
    s2.wait()

    @pl.when(wid == 0)
    def _old_remainder():
        base = _NW * _C_OLD
        r = _R_OLD
        pltpu.sync_copy(gi.at[:, pl.ds(base, r)], b_old.at[:, pl.ds(0, r)])
        pltpu.sync_copy(b_old.at[:, pl.ds(0, r)], oi.at[:, pl.ds(base, r)])


@functools.lru_cache(maxsize=1)
def _get_asm_kernel():
    return functools.partial(
        pl.kernel,
        out_type=[
            jax.ShapeDtypeStruct((2, E_OUT), jnp.int32),
            jax.ShapeDtypeStruct((E_OUT,), jnp.float32),
        ],
        mesh=plsc.VectorSubcoreMesh(core_axis_name="c", subcore_axis_name="s"),
        scratch_types=[
            pltpu.VMEM((2, _C_OLD), jnp.int32),
            pltpu.VMEM((2, _C_NEW), jnp.int32),
            pltpu.VMEM((2, _C_NEW), jnp.int32),
            pltpu.VMEM((_PER_OLD,), jnp.float32),
            pltpu.VMEM((_PER_NEW,), jnp.float32),
            pltpu.SemaphoreType.DMA,
            pltpu.SemaphoreType.DMA,
            pltpu.SemaphoreType.DMA,
            pltpu.SemaphoreType.DMA,
        ],
    )(_asm_body)


def kernel(item_features, w0, w1, k_param, graph_indices, graph_values, k, b):
    emb = pl.pallas_call(
        _emb_kernel,
        out_shape=jax.ShapeDtypeStruct((M_ITEMS, D_FEAT), jnp.float32),
    )(item_features, w0.reshape(1, D_FEAT), w1.reshape(1, D_FEAT))

    grid = (M_ITEMS // B_ROWS,)
    cols, w, rows = pl.pallas_call(
        _topk_kernel,
        grid=grid,
        in_specs=[
            pl.BlockSpec((1, 1), lambda i: (0, 0)),
            pl.BlockSpec((B_ROWS, D_FEAT), lambda i: (i, 0)),
            pl.BlockSpec((M_ITEMS, D_FEAT), lambda i: (0, 0)),
        ],
        out_specs=[
            pl.BlockSpec((B_ROWS, K_TOP), lambda i: (i, 0)),
            pl.BlockSpec((B_ROWS, K_TOP), lambda i: (i, 0)),
            pl.BlockSpec((B_ROWS, K_TOP), lambda i: (i, 0)),
        ],
        out_shape=[
            jax.ShapeDtypeStruct((M_ITEMS, K_TOP), jnp.int32),
            jax.ShapeDtypeStruct((M_ITEMS, K_TOP), jnp.float32),
            jax.ShapeDtypeStruct((M_ITEMS, K_TOP), jnp.int32),
        ],
    )(b.reshape(1, 1), emb, emb)

    out_indices, out_values = _get_asm_kernel()(
        graph_indices, graph_values, rows.reshape(E_NEW),
        cols.reshape(E_NEW), w.reshape(E_NEW))
    return out_indices, out_values

# --- scband reference (transcript-rebuilt; emitter-appended) ---
"""Pipeline reference for scband-graph-maker-41343355191810 (READ-ONLY COPY).

The authoritative reference and input builder live on the scoring server;
editing this copy changes nothing except your own understanding.
"""

import jax, jax.numpy as jnp
import numpy as np

N_USERS = 6000
M_ITEMS = 4000
D_FEAT = 256
NNZ = 320000
K = 20


def setup_inputs(seed: int = 0) -> dict:
    key = jax.random.key(seed)
    k1, k2, k3, k4 = jax.random.split(key, 4)
    item_features = jax.random.normal(k1, (M_ITEMS, D_FEAT), dtype=jnp.float32)
    # Attentive layer params: elementwise learnable scaling vector, initialized to ones
    w0 = jnp.ones((D_FEAT,), dtype=jnp.float32)
    w1 = jnp.ones((D_FEAT,), dtype=jnp.float32)
    k_param = jnp.asarray(float(K), dtype=jnp.float32)
    # bipartite user-item interaction graph as COO, symmetrized
    half = NNZ // 2
    u = jax.random.randint(k3, (half,), 0, N_USERS)
    it = jax.random.randint(k4, (half,), 0, M_ITEMS) + N_USERS
    graph_indices = jnp.concatenate([jnp.stack([u, it]), jnp.stack([it, u])], axis=1).astype(jnp.int32)
    graph_values = jnp.ones((NNZ,), dtype=jnp.float32)
    b = jnp.asarray(0.2, dtype=jnp.float32)
    return {"item_features": item_features, "w0": w0, "w1": w1, "k_param": k_param,
            "graph_indices": graph_indices, "graph_values": graph_values, "k": K, "b": b}


def _internal_forward(item_features, w0, w1):
    # two Attentive layers with relu between (mlp_act='relu', n_layers=2)
    h = item_features * w0
    h = jax.nn.relu(h)
    h = h * w1
    return h


def _add_edge(item_emb, n_users, m_items, k, b):
    # kNN over item-item cosine similarity; keep edges with weight >= b
    norms = jnp.linalg.norm(item_emb, axis=1, keepdims=True)
    emb = item_emb / (norms + 1e-8)
    sim = emb @ emb.T
    vals, idx = jax.lax.top_k(sim, k)
    rows = jnp.repeat(jnp.arange(m_items, dtype=jnp.int32), k) + n_users
    cols = idx.reshape(-1).astype(jnp.int32) + n_users
    weights = jnp.where(vals >= b, vals, jnp.zeros_like(vals)).reshape(-1)
    return rows, cols, weights


def reference(item_features, w0, w1, k_param, graph_indices, graph_values, k, b):
    h = _internal_forward(item_features, w0, w1)
    int_k = K
    rows, cols, weights = _add_edge(h, N_USERS, M_ITEMS, int_k, b)
    row = jnp.concatenate([rows, cols])
    col = jnp.concatenate([cols, rows])
    weights2 = jnp.concatenate([weights, weights])
    # adj: same sparsity pattern as input graph with values set to ones
    adj_values = jnp.ones_like(graph_values)
    new_indices = jnp.stack([row, col], axis=0)
    # sparse addition: concatenated (possibly uncoalesced) COO representation
    out_indices = jnp.concatenate([graph_indices, new_indices.astype(graph_indices.dtype)], axis=1)
    out_values = jnp.concatenate([adj_values, weights2])
    out_values = out_values + (k_param * 0 + k * 0).astype(out_values.dtype)
    return out_indices, out_values

if __name__ == "__main__":
    import jax
    _d = setup_inputs()
    print(jax.jit(kernel)(*tuple(_d.values())))

</pallas_src>

<mosaic_0001>
#map = affine_map<(d0, d1) -> (0, 0)>
#map1 = affine_map<(d0, d1) -> (0)>
module attributes {stable_mosaic.version = 14 : i64} {
  func.func @_asm_body(%arg0: i32, %arg1: i32, %arg2: memref<2x320000xi32, #tpu.memory_space<hbm>>, %arg3: memref<320000xf32, #tpu.memory_space<hbm>>, %arg4: memref<80000xi32, #tpu.memory_space<hbm>>, %arg5: memref<80000xi32, #tpu.memory_space<hbm>>, %arg6: memref<80000xf32, #tpu.memory_space<hbm>>, %arg7: memref<2x480000xi32, #tpu.memory_space<hbm>>, %arg8: memref<480000xf32, #tpu.memory_space<hbm>>, %arg9: memref<2x9984xi32, #tpu.memory_space<vmem>>, %arg10: memref<2x4992xi32, #tpu.memory_space<vmem>>, %arg11: memref<2x4992xi32, #tpu.memory_space<vmem>>, %arg12: memref<10000xf32, #tpu.memory_space<vmem>>, %arg13: memref<5000xf32, #tpu.memory_space<vmem>>, %arg14: memref<!tpu.dma_semaphore, #tpu.memory_space<semaphore_mem>>, %arg15: memref<!tpu.dma_semaphore, #tpu.memory_space<semaphore_mem>>, %arg16: memref<!tpu.dma_semaphore, #tpu.memory_space<semaphore_mem>>, %arg17: memref<!tpu.dma_semaphore, #tpu.memory_space<semaphore_mem>>) attributes {dimension_semantics = [#tpu.dimension_semantics<core_parallel>, #tpu.dimension_semantics<subcore_parallel>], iteration_bounds = array<i64: 2, 16>, scalar_prefetch = 0 : i64, scratch_operands = 9 : i64, tpu.core_type = #tpu.core_type<sc_vector_subcore>, window_params = [{transform_indices = #map}, {transform_indices = #map1}, {transform_indices = #map1}, {transform_indices = #map1}, {transform_indices = #map1}, {transform_indices = #map}, {transform_indices = #map1}]} {
    %mul3A = arith.constant 2 : i32
    %mul3A_0 = arith.muli %arg1, %mul3A : i32
    %add3A = arith.addi %mul3A_0, %arg0 : i32
    %mul3A_1 = arith.constant 9984 : i32
    %mul3A_2 = arith.muli %add3A, %mul3A_1 : i32
    %mul3A_3 = arith.constant 10000 : i32
    %mul3A_4 = arith.muli %add3A, %mul3A_3 : i32
    %dma_start3A = arith.constant 0 : i32
    %dma_start3A_5 = tpu.memref_slice %arg2[%dma_start3A, %mul3A_2] : memref<2x320000xi32, #tpu.memory_space<hbm>> -> memref<2x9984xi32, #tpu.memory_space<hbm>>
    %dma_start3A_6 = arith.constant 0 : i32
    %dma_start3A_7 = tpu.memref_slice %arg2[%dma_start3A_6, %mul3A_2] : memref<2x320000xi32, #tpu.memory_space<hbm>> -> memref<2x9984xi32, #tpu.memory_space<hbm>>
    tpu.enqueue_dma source(%dma_start3A_7 : memref<2x9984xi32, #tpu.memory_space<hbm>>) target(%arg9 : memref<2x9984xi32, #tpu.memory_space<vmem>>) target_semaphore(%arg14 : memref<!tpu.dma_semaphore, #tpu.memory_space<semaphore_mem>>)
    %dma_start3A_8 = tpu.memref_slice %arg3[%mul3A_4] : memref<320000xf32, #tpu.memory_space<hbm>> -> memref<10000xf32, #tpu.memory_space<hbm>>
    %dma_start3A_9 = tpu.memref_slice %arg3[%mul3A_4] : memref<320000xf32, #tpu.memory_space<hbm>> -> memref<10000xf32, #tpu.memory_space<hbm>>
    tpu.enqueue_dma source(%dma_start3A_9 : memref<10000xf32, #tpu.memory_space<hbm>>) target(%arg12 : memref<10000xf32, #tpu.memory_space<vmem>>) target_semaphore(%arg14 : memref<!tpu.dma_semaphore, #tpu.memory_space<semaphore_mem>>)
    %lt3A = arith.constant 16 : i32
    %lt3A_10 = arith.cmpi slt, %add3A, %lt3A : i32
    %convert_element_type3A = arith.extui %lt3A_10 : i1 to i32
    %cond3A = arith.constant 0 : i32
    %cond3A_11 = arith.cmpi ne, %convert_element_type3A, %cond3A : i32
    scf.if %cond3A_11 {
      %mul3A_38 = arith.constant 4992 : i32
      %mul3A_39 = arith.muli %add3A, %mul3A_38 : i32
      %mul3A_40 = arith.constant 5000 : i32
      %mul3A_41 = arith.muli %add3A, %mul3A_40 : i32
      %dma_start3A_42 = arith.constant 0 : i32
      %dma_start3A_43 = arith.constant 0 : i32
      %dma_start3A_44 = tpu.memref_slice %arg10[%dma_start3A_42, %dma_start3A_43] : memref<2x4992xi32, #tpu.memory_space<vmem>> -> memref<1x4992xi32, #tpu.memory_space<vmem>>
      %dma_start3A_45 = tpu.memref_squeeze %dma_start3A_44 : memref<1x4992xi32, #tpu.memory_space<vmem>> -> memref<4992xi32, #tpu.memory_space<vmem>>
      %dma_start3A_46 = tpu.memref_slice %arg4[%mul3A_39] : memref<80000xi32, #tpu.memory_space<hbm>> -> memref<4992xi32, #tpu.memory_space<hbm>>
      %dma_start3A_47 = arith.constant 0 : i32
      %dma_start3A_48 = tpu.memref_slice %arg10[%dma_start3A_42, %dma_start3A_47] : memref<2x4992xi32, #tpu.memory_space<vmem>> -> memref<1x4992xi32, #tpu.memory_space<vmem>>
      %dma_start3A_49 = tpu.memref_squeeze %dma_start3A_48 : memref<1x4992xi32, #tpu.memory_space<vmem>> -> memref<4992xi32, #tpu.memory_space<vmem>>
      %dma_start3A_50 = tpu.memref_slice %arg4[%mul3A_39] : memref<80000xi32, #tpu.memory_space<hbm>> -> memref<4992xi32, #tpu.memory_space<hbm>>
      tpu.enqueue_dma source(%dma_start3A_50 : memref<4992xi32, #tpu.memory_space<hbm>>) target(%dma_start3A_49 : memref<4992xi32, #tpu.memory_space<vmem>>) target_semaphore(%arg16 : memref<!tpu.dma_semaphore, #tpu.memory_space<semaphore_mem>>)
      %dma_start3A_51 = arith.constant 1 : i32
      %dma_start3A_52 = arith.constant 0 : i32
      %dma_start3A_53 = tpu.memref_slice %arg10[%dma_start3A_51, %dma_start3A_52] : memref<2x4992xi32, #tpu.memory_space<vmem>> -> memref<1x4992xi32, #tpu.memory_space<vmem>>
      %dma_start3A_54 = tpu.memref_squeeze %dma_start3A_53 : memref<1x4992xi32, #tpu.memory_space<vmem>> -> memref<4992xi32, #tpu.memory_space<vmem>>
      %dma_start3A_55 = tpu.memref_slice %arg5[%mul3A_39] : memref<80000xi32, #tpu.memory_space<hbm>> -> memref<4992xi32, #tpu.memory_space<hbm>>
      %dma_start3A_56 = arith.constant 0 : i32
      %dma_start3A_57 = tpu.memref_slice %arg10[%dma_start3A_51, %dma_start3A_56] : memref<2x4992xi32, #tpu.memory_space<vmem>> -> memref<1x4992xi32, #tpu.memory_space<vmem>>
      %dma_start3A_58 = tpu.memref_squeeze %dma_start3A_57 : memref<1x4992xi32, #tpu.memory_space<vmem>> -> memref<4992xi32, #tpu.memory_space<vmem>>
      %dma_start3A_59 = tpu.memref_slice %arg5[%mul3A_39] : memref<80000xi32, #tpu.memory_space<hbm>> -> memref<4992xi32, #tpu.memory_space<hbm>>
      tpu.enqueue_dma source(%dma_start3A_59 : memref<4992xi32, #tpu.memory_space<hbm>>) target(%dma_start3A_58 : memref<4992xi32, #tpu.memory_space<vmem>>) target_semaphore(%arg16 : memref<!tpu.dma_semaphore, #tpu.memory_space<semaphore_mem>>)
      %dma_start3A_60 = arith.constant 0 : i32
      %dma_start3A_61 = arith.constant 0 : i32
      %dma_start3A_62 = tpu.memref_slice %arg11[%dma_start3A_60, %dma_start3A_61] : memref<2x4992xi32, #tpu.memory_space<vmem>> -> memref<1x4992xi32, #tpu.memory_space<vmem>>
      %dma_start3A_63 = tpu.memref_squeeze %dma_start3A_62 : memref<1x4992xi32, #tpu.memory_space<vmem>> -> memref<4992xi32, #tpu.memory_space<vmem>>
      %dma_start3A_64 = tpu.memref_slice %arg5[%mul3A_39] : memref<80000xi32, #tpu.memory_space<hbm>> -> memref<4992xi32, #tpu.memory_space<hbm>>
      %dma_start3A_65 = arith.constant 0 : i32
      %dma_start3A_66 = tpu.memref_slice %arg11[%dma_start3A_60, %dma_start3A_65] : memref<2x4992xi32, #tpu.memory_space<vmem>> -> memref<1x4992xi32, #tpu.memory_space<vmem>>
      %dma_start3A_67 = tpu.memref_squeeze %dma_start3A_66 : memref<1x4992xi32, #tpu.memory_space<vmem>> -> memref<4992xi32, #tpu.memory_space<vmem>>
      %dma_start3A_68 = tpu.memref_slice %arg5[%mul3A_39] : memref<80000xi32, #tpu.memory_space<hbm>> -> memref<4992xi32, #tpu.memory_space<hbm>>
      tpu.enqueue_dma source(%dma_start3A_68 : memref<4992xi32, #tpu.memory_space<hbm>>) target(%dma_start3A_67 : memref<4992xi32, #tpu.memory_space<vmem>>) target_semaphore(%arg16 : memref<!tpu.dma_semaphore, #tpu.memory_space<semaphore_mem>>)
      %dma_start3A_69 = arith.constant 1 : i32
      %dma_start3A_70 = arith.constant 0 : i32
      %dma_start3A_71 = tpu.memref_slice %arg11[%dma_start3A_69, %dma_start3A_70] : memref<2x4992xi32, #tpu.memory_space<vmem>> -> memref<1x4992xi32, #tpu.memory_space<vmem>>
      %dma_start3A_72 = tpu.memref_squeeze %dma_start3A_71 : memref<1x4992xi32, #tpu.memory_space<vmem>> -> memref<4992xi32, #tpu.memory_space<vmem>>
      %dma_start3A_73 = tpu.memref_slice %arg4[%mul3A_39] : memref<80000xi32, #tpu.memory_space<hbm>> -> memref<4992xi32, #tpu.memory_space<hbm>>
      %dma_start3A_74 = arith.constant 0 : i32
      %dma_start3A_75 = tpu.memref_slice %arg11[%dma_start3A_69, %dma_start3A_74] : memref<2x4992xi32, #tpu.memory_space<vmem>> -> memref<1x4992xi32, #tpu.memory_space<vmem>>
      %dma_start3A_76 = tpu.memref_squeeze %dma_start3A_75 : memref<1x4992xi32, #tpu.memory_space<vmem>> -> memref<4992xi32, #tpu.memory_space<vmem>>
      %dma_start3A_77 = tpu.memref_slice %arg4[%mul3A_39] : memref<80000xi32, #tpu.memory_space<hbm>> -> memref<4992xi32, #tpu.memory_space<hbm>>
      tpu.enqueue_dma source(%dma_start3A_77 : memref<4992xi32, #tpu.memory_space<hbm>>) target(%dma_start3A_76 : memref<4992xi32, #tpu.memory_space<vmem>>) target_semaphore(%arg16 : memref<!tpu.dma_semaphore, #tpu.memory_space<semaphore_mem>>)
      %dma_start3A_78 = tpu.memref_slice %arg6[%mul3A_41] : memref<80000xf32, #tpu.memory_space<hbm>> -> memref<5000xf32, #tpu.memory_space<hbm>>
      %dma_start3A_79 = tpu.memref_slice %arg6[%mul3A_41] : memref<80000xf32, #tpu.memory_space<hbm>> -> memref<5000xf32, #tpu.memory_space<hbm>>
      tpu.enqueue_dma source(%dma_start3A_79 : memref<5000xf32, #tpu.memory_space<hbm>>) target(%arg13 : memref<5000xf32, #tpu.memory_space<vmem>>) target_semaphore(%arg16 : memref<!tpu.dma_semaphore, #tpu.memory_space<semaphore_mem>>)
      %dma_wait3A_80 = arith.constant 0 : i32
      %dma_wait3A_81 = arith.constant 0 : i32
      %dma_wait3A_82 = tpu.memref_slice %arg10[%dma_wait3A_80, %dma_wait3A_81] : memref<2x4992xi32, #tpu.memory_space<vmem>> -> memref<1x4992xi32, #tpu.memory_space<vmem>>
      %dma_wait3A_83 = tpu.memref_squeeze %dma_wait3A_82 : memref<1x4992xi32, #tpu.memory_space<vmem>> -> memref<4992xi32, #tpu.memory_space<vmem>>
      %dma_wait3A_84 = tpu.memref_slice %arg4[%mul3A_39] : memref<80000xi32, #tpu.memory_space<hbm>> -> memref<4992xi32, #tpu.memory_space<hbm>>
      %dma_wait3A_85 = arith.constant 0 : i32
      %dma_wait3A_86 = tpu.memref_slice %arg10[%dma_wait3A_80, %dma_wait3A_85] : memref<2x4992xi32, #tpu.memory_space<vmem>> -> memref<1x4992xi32, #tpu.memory_space<vmem>>
      %dma_wait3A_87 = tpu.memref_squeeze %dma_wait3A_86 : memref<1x4992xi32, #tpu.memory_space<vmem>> -> memref<4992xi32, #tpu.memory_space<vmem>>
      %dma_wait3A_88 = tpu.memref_slice %arg4[%mul3A_39] : memref<80000xi32, #tpu.memory_space<hbm>> -> memref<4992xi32, #tpu.memory_space<hbm>>
      tpu.wait_dma2 semaphore(%arg16 : memref<!tpu.dma_semaphore, #tpu.memory_space<semaphore_mem>>) src(%dma_wait3A_88 : memref<4992xi32, #tpu.memory_space<hbm>>) dst(%dma_wait3A_87 : memref<4992xi32, #tpu.memory_space<vmem>>)
      %dma_wait3A_89 = arith.constant 1 : i32
      %dma_wait3A_90 = arith.constant 0 : i32
      %dma_wait3A_91 = tpu.memref_slice %arg10[%dma_wait3A_89, %dma_wait3A_90] : memref<2x4992xi32, #tpu.memory_space<vmem>> -> memref<1x4992xi32, #tpu.memory_space<vmem>>
      %dma_wait3A_92 = tpu.memref_squeeze %dma_wait3A_91 : memref<1x4992xi32, #tpu.memory_space<vmem>> -> memref<4992xi32, #tpu.memory_space<vmem>>
      %dma_wait3A_93 = tpu.memref_slice %arg5[%mul3A_39] : memref<80000xi32, #tpu.memory_space<hbm>> -> memref<4992xi32, #tpu.memory_space<hbm>>
      %dma_wait3A_94 = arith.constant 0 : i32
      %dma_wait3A_95 = tpu.memref_slice %arg10[%dma_wait3A_89, %dma_wait3A_94] : memref<2x4992xi32, #tpu.memory_space<vmem>> -> memref<1x4992xi32, #tpu.memory_space<vmem>>
      %dma_wait3A_96 = tpu.memref_squeeze %dma_wait3A_95 : memref<1x4992xi32, #tpu.memory_space<vmem>> -> memref<4992xi32, #tpu.memory_space<vmem>>
      %dma_wait3A_97 = tpu.memref_slice %arg5[%mul3A_39] : memref<80000xi32, #tpu.memory_space<hbm>> -> memref<4992xi32, #tpu.memory_space<hbm>>
      tpu.wait_dma2 semaphore(%arg16 : memref<!tpu.dma_semaphore, #tpu.memory_space<semaphore_mem>>) src(%dma_wait3A_97 : memref<4992xi32, #tpu.memory_space<hbm>>) dst(%dma_wait3A_96 : memref<4992xi32, #tpu.memory_space<vmem>>)
      %dma_wait3A_98 = arith.constant 0 : i32
      %dma_wait3A_99 = arith.constant 0 : i32
      %dma_wait3A_100 = tpu.memref_slice %arg11[%dma_wait3A_98, %dma_wait3A_99] : memref<2x4992xi32, #tpu.memory_space<vmem>> -> memref<1x4992xi32, #tpu.memory_space<vmem>>
      %dma_wait3A_101 = tpu.memref_squeeze %dma_wait3A_100 : memref<1x4992xi32, #tpu.memory_space<vmem>> -> memref<4992xi32, #tpu.memory_space<vmem>>
      %dma_wait3A_102 = tpu.memref_slice %arg5[%mul3A_39] : memref<80000xi32, #tpu.memory_space<hbm>> -> memref<4992xi32, #tpu.memory_space<hbm>>
      %dma_wait3A_103 = arith.constant 0 : i32
      %dma_wait3A_104 = tpu.memref_slice %arg11[%dma_wait3A_98, %dma_wait3A_103] : memref<2x4992xi32, #tpu.memory_space<vmem>> -> memref<1x4992xi32, #tpu.memory_space<vmem>>
      %dma_wait3A_105 = tpu.memref_squeeze %dma_wait3A_104 : memref<1x4992xi32, #tpu.memory_space<vmem>> -> memref<4992xi32, #tpu.memory_space<vmem>>
      %dma_wait3A_106 = tpu.memref_slice %arg5[%mul3A_39] : memref<80000xi32, #tpu.memory_space<hbm>> -> memref<4992xi32, #tpu.memory_space<hbm>>
      tpu.wait_dma2 semaphore(%arg16 : memref<!tpu.dma_semaphore, #tpu.memory_space<semaphore_mem>>) src(%dma_wait3A_106 : memref<4992xi32, #tpu.memory_space<hbm>>) dst(%dma_wait3A_105 : memref<4992xi32, #tpu.memory_space<vmem>>)
      %dma_wait3A_107 = arith.constant 1 : i32
      %dma_wait3A_108 = arith.constant 0 : i32
      %dma_wait3A_109 = tpu.memref_slice %arg11[%dma_wait3A_107, %dma_wait3A_108] : memref<2x4992xi32, #tpu.memory_space<vmem>> -> memref<1x4992xi32, #tpu.memory_space<vmem>>
      %dma_wait3A_110 = tpu.memref_squeeze %dma_wait3A_109 : memref<1x4992xi32, #tpu.memory_space<vmem>> -> memref<4992xi32, #tpu.memory_space<vmem>>
      %dma_wait3A_111 = tpu.memref_slice %arg4[%mul3A_39] : memref<80000xi32, #tpu.memory_space<hbm>> -> memref<4992xi32, #tpu.memory_space<hbm>>
      %dma_wait3A_112 = arith.constant 0 : i32
      %dma_wait3A_113 = tpu.memref_slice %arg11[%dma_wait3A_107, %dma_wait3A_112] : memref<2x4992xi32, #tpu.memory_space<vmem>> -> memref<1x4992xi32, #tpu.memory_space<vmem>>
      %dma_wait3A_114 = tpu.memref_squeeze %dma_wait3A_113 : memref<1x4992xi32, #tpu.memory_space<vmem>> -> memref<4992xi32, #tpu.memory_space<vmem>>
      %dma_wait3A_115 = tpu.memref_slice %arg4[%mul3A_39] : memref<80000xi32, #tpu.memory_space<hbm>> -> memref<4992xi32, #tpu.memory_space<hbm>>
      tpu.wait_dma2 semaphore(%arg16 : memref<!tpu.dma_semaphore, #tpu.memory_space<semaphore_mem>>) src(%dma_wait3A_115 : memref<4992xi32, #tpu.memory_space<hbm>>) dst(%dma_wait3A_114 : memref<4992xi32, #tpu.memory_space<vmem>>)
      %dma_wait3A_116 = tpu.memref_slice %arg6[%mul3A_41] : memref<80000xf32, #tpu.memory_space<hbm>> -> memref<5000xf32, #tpu.memory_space<hbm>>
      %dma_wait3A_117 = tpu.memref_slice %arg6[%mul3A_41] : memref<80000xf32, #tpu.memory_space<hbm>> -> memref<5000xf32, #tpu.memory_space<hbm>>
      tpu.wait_dma2 semaphore(%arg16 : memref<!tpu.dma_semaphore, #tpu.memory_space<semaphore_mem>>) src(%dma_wait3A_117 : memref<5000xf32, #tpu.memory_space<hbm>>) dst(%arg13 : memref<5000xf32, #tpu.memory_space<vmem>>)
      %add3A_118 = arith.constant 320000 : i32
      %add3A_119 = arith.addi %add3A_118, %mul3A_39 : i32
      %dma_start3A_120 = arith.constant 0 : i32
      %dma_start3A_121 = tpu.memref_slice %arg7[%dma_start3A_120, %add3A_119] : memref<2x480000xi32, #tpu.memory_space<hbm>> -> memref<2x4992xi32, #tpu.memory_space<hbm>>
      %dma_start3A_122 = arith.constant 0 : i32
      %dma_start3A_123 = tpu.memref_slice %arg7[%dma_start3A_122, %add3A_119] : memref<2x480000xi32, #tpu.memory_space<hbm>> -> memref<2x4992xi32, #tpu.memory_space<hbm>>
      tpu.enqueue_dma source(%arg10 : memref<2x4992xi32, #tpu.memory_space<vmem>>) target(%dma_start3A_123 : memref<2x4992xi32, #tpu.memory_space<hbm>>) target_semaphore(%arg17 : memref<!tpu.dma_semaphore, #tpu.memory_space<semaphore_mem>>)
      %add3A_124 = arith.constant 400000 : i32
      %add3A_125 = arith.addi %add3A_124, %mul3A_39 : i32
      %dma_start3A_126 = arith.constant 0 : i32
      %dma_start3A_127 = tpu.memref_slice %arg7[%dma_start3A_126, %add3A_125] : memref<2x480000xi32, #tpu.memory_space<hbm>> -> memref<2x4992xi32, #tpu.memory_space<hbm>>
      %dma_start3A_128 = arith.constant 0 : i32
      %dma_start3A_129 = tpu.memref_slice %arg7[%dma_start3A_128, %add3A_125] : memref<2x480000xi32, #tpu.memory_space<hbm>> -> memref<2x4992xi32, #tpu.memory_space<hbm>>
      tpu.enqueue_dma source(%arg11 : memref<2x4992xi32, #tpu.memory_space<vmem>>) target(%dma_start3A_129 : memref<2x4992xi32, #tpu.memory_space<hbm>>) target_semaphore(%arg17 : memref<!tpu.dma_semaphore, #tpu.memory_space<semaphore_mem>>)
      %add3A_130 = arith.constant 320000 : i32
      %add3A_131 = arith.addi %add3A_130, %mul3A_41 : i32
      %dma_start3A_132 = tpu.memref_slice %arg8[%add3A_131] : memref<480000xf32, #tpu.memory_space<hbm>> -> memref<5000xf32, #tpu.memory_space<hbm>>
      %dma_start3A_133 = tpu.memref_slice %arg8[%add3A_131] : memref<480000xf32, #tpu.memory_space<hbm>> -> memref<5000xf32, #tpu.memory_space<hbm>>
      tpu.enqueue_dma source(%arg13 : memref<5000xf32, #tpu.memory_space<vmem>>) target(%dma_start3A_133 : memref<5000xf32, #tpu.memory_space<hbm>>) target_semaphore(%arg17 : memref<!tpu.dma_semaphore, #tpu.memory_space<semaphore_mem>>)
      %add3A_134 = arith.constant 400000 : i32
      %add3A_135 = arith.addi %add3A_134, %mul3A_41 : i32
      %dma_start3A_136 = tpu.memref_slice %arg8[%add3A_135] : memref<480000xf32, #tpu.memory_space<hbm>> -> memref<5000xf32, #tpu.memory_space<hbm>>
      %dma_start3A_137 = tpu.memref_slice %arg8[%add3A_135] : memref<480000xf32, #tpu.memory_space<hbm>> -> memref<5000xf32, #tpu.memory_space<hbm>>
      tpu.enqueue_dma source(%arg13 : memref<5000xf32, #tpu.memory_space<vmem>>) target(%dma_start3A_137 : memref<5000xf32, #tpu.memory_space<hbm>>) target_semaphore(%arg17 : memref<!tpu.dma_semaphore, #tpu.memory_space<semaphore_mem>>)
      %dma_wait3A_138 = arith.constant 0 : i32
      %dma_wait3A_139 = tpu.memref_slice %arg7[%dma_wait3A_138, %add3A_119] : memref<2x480000xi32, #tpu.memory_space<hbm>> -> memref<2x4992xi32, #tpu.memory_space<hbm>>
      %dma_wait3A_140 = arith.constant 0 : i32
      %dma_wait3A_141 = tpu.memref_slice %arg7[%dma_wait3A_140, %add3A_119] : memref<2x480000xi32, #tpu.memory_space<hbm>> -> memref<2x4992xi32, #tpu.memory_space<hbm>>
      tpu.wait_dma2 semaphore(%arg17 : memref<!tpu.dma_semaphore, #tpu.memory_space<semaphore_mem>>) src(%arg10 : memref<2x4992xi32, #tpu.memory_space<vmem>>) dst(%dma_wait3A_141 : memref<2x4992xi32, #tpu.memory_space<hbm>>)
      %dma_wait3A_142 = arith.constant 0 : i32
      %dma_wait3A_143 = tpu.memref_slice %arg7[%dma_wait3A_142, %add3A_125] : memref<2x480000xi32, #tpu.memory_space<hbm>> -> memref<2x4992xi32, #tpu.memory_space<hbm>>
      %dma_wait3A_144 = arith.constant 0 : i32
      %dma_wait3A_145 = tpu.memref_slice %arg7[%dma_wait3A_144, %add3A_125] : memref<2x480000xi32, #tpu.memory_space<hbm>> -> memref<2x4992xi32, #tpu.memory_space<hbm>>
      tpu.wait_dma2 semaphore(%arg17 : memref<!tpu.dma_semaphore, #tpu.memory_space<semaphore_mem>>) src(%arg11 : memref<2x4992xi32, #tpu.memory_space<vmem>>) dst(%dma_wait3A_145 : memref<2x4992xi32, #tpu.memory_space<hbm>>)
      %dma_wait3A_146 = tpu.memref_slice %arg8[%add3A_131] : memref<480000xf32, #tpu.memory_space<hbm>> -> memref<5000xf32, #tpu.memory_space<hbm>>
      %dma_wait3A_147 = tpu.memref_slice %arg8[%add3A_131] : memref<480000xf32, #tpu.memory_space<hbm>> -> memref<5000xf32, #tpu.memory_space<hbm>>
      tpu.wait_dma2 semaphore(%arg17 : memref<!tpu.dma_semaphore, #tpu.memory_space<semaphore_mem>>) src(%arg13 : memref<5000xf32, #tpu.memory_space<vmem>>) dst(%dma_wait3A_147 : memref<5000xf32, #tpu.memory_space<hbm>>)
      %dma_wait3A_148 = tpu.memref_slice %arg8[%add3A_135] : memref<480000xf32, #tpu.memory_space<hbm>> -> memref<5000xf32, #tpu.memory_space<hbm>>
      %dma_wait3A_149 = tpu.memref_slice %arg8[%add3A_135] : memref<480000xf32, #tpu.memory_space<hbm>> -> memref<5000xf32, #tpu.memory_space<hbm>>
      tpu.wait_dma2 semaphore(%arg17 : memref<!tpu.dma_semaphore, #tpu.memory_space<semaphore_mem>>) src(%arg13 : memref<5000xf32, #tpu.memory_space<vmem>>) dst(%dma_wait3A_149 : memref<5000xf32, #tpu.memory_space<hbm>>)
    } else {
    }
    %eq3A = arith.constant 16 : i32
    %eq3A_12 = arith.cmpi eq, %add3A, %eq3A : i32
    %convert_element_type3A_13 = arith.extui %eq3A_12 : i1 to i32
    %cond3A_14 = arith.constant 0 : i32
    %cond3A_15 = arith.cmpi ne, %convert_element_type3A_13, %cond3A_14 : i32
    scf.if %cond3A_15 {
      %dma_start3A_38 = arith.constant 0 : i32
      %dma_start3A_39 = arith.constant 0 : i32
      %dma_start3A_40 = tpu.memref_slice %arg10[%dma_start3A_38, %dma_start3A_39] : memref<2x4992xi32, #tpu.memory_space<vmem>> -> memref<1x128xi32, #tpu.memory_space<vmem>>
      %dma_start3A_41 = tpu.memref_squeeze %dma_start3A_40 : memref<1x128xi32, #tpu.memory_space<vmem>> -> memref<128xi32, #tpu.memory_space<vmem>>
      %dma_start3A_42 = arith.constant 79872 : i32
      %dma_start3A_43 = tpu.memref_slice %arg4[%dma_start3A_42] : memref<80000xi32, #tpu.memory_space<hbm>> -> memref<128xi32, #tpu.memory_space<hbm>>
      %dma_start3A_44 = arith.constant 0 : i32
      %dma_start3A_45 = tpu.memref_slice %arg10[%dma_start3A_38, %dma_start3A_44] : memref<2x4992xi32, #tpu.memory_space<vmem>> -> memref<1x128xi32, #tpu.memory_space<vmem>>
      %dma_start3A_46 = tpu.memref_squeeze %dma_start3A_45 : memref<1x128xi32, #tpu.memory_space<vmem>> -> memref<128xi32, #tpu.memory_space<vmem>>
      %dma_start3A_47 = arith.constant 79872 : i32
      %dma_start3A_48 = tpu.memref_slice %arg4[%dma_start3A_47] : memref<80000xi32, #tpu.memory_space<hbm>> -> memref<128xi32, #tpu.memory_space<hbm>>
      tpu.enqueue_dma source(%dma_start3A_48 : memref<128xi32, #tpu.memory_space<hbm>>) target(%dma_start3A_46 : memref<128xi32, #tpu.memory_space<vmem>>) target_semaphore(%arg16 : memref<!tpu.dma_semaphore, #tpu.memory_space<semaphore_mem>>)
      %dma_start3A_49 = arith.constant 1 : i32
      %dma_start3A_50 = arith.constant 0 : i32
      %dma_start3A_51 = tpu.memref_slice %arg10[%dma_start3A_49, %dma_start3A_50] : memref<2x4992xi32, #tpu.memory_space<vmem>> -> memref<1x128xi32, #tpu.memory_space<vmem>>
      %dma_start3A_52 = tpu.memref_squeeze %dma_start3A_51 : memref<1x128xi32, #tpu.memory_space<vmem>> -> memref<128xi32, #tpu.memory_space<vmem>>
      %dma_start3A_53 = arith.constant 79872 : i32
      %dma_start3A_54 = tpu.memref_slice %arg5[%dma_start3A_53] : memref<80000xi32, #tpu.memory_space<hbm>> -> memref<128xi32, #tpu.memory_space<hbm>>
      %dma_start3A_55 = arith.constant 0 : i32
      %dma_start3A_56 = tpu.memref_slice %arg10[%dma_start3A_49, %dma_start3A_55] : memref<2x4992xi32, #tpu.memory_space<vmem>> -> memref<1x128xi32, #tpu.memory_space<vmem>>
      %dma_start3A_57 = tpu.memref_squeeze %dma_start3A_56 : memref<1x128xi32, #tpu.memory_space<vmem>> -> memref<128xi32, #tpu.memory_space<vmem>>
      %dma_start3A_58 = arith.constant 79872 : i32
      %dma_start3A_59 = tpu.memref_slice %arg5[%dma_start3A_58] : memref<80000xi32, #tpu.memory_space<hbm>> -> memref<128xi32, #tpu.memory_space<hbm>>
      tpu.enqueue_dma source(%dma_start3A_59 : memref<128xi32, #tpu.memory_space<hbm>>) target(%dma_start3A_57 : memref<128xi32, #tpu.memory_space<vmem>>) target_semaphore(%arg16 : memref<!tpu.dma_semaphore, #tpu.memory_space<semaphore_mem>>)
      %dma_start3A_60 = arith.constant 0 : i32
      %dma_start3A_61 = arith.constant 0 : i32
      %dma_start3A_62 = tpu.memref_slice %arg11[%dma_start3A_60, %dma_start3A_61] : memref<2x4992xi32, #tpu.memory_space<vmem>> -> memref<1x128xi32, #tpu.memory_space<vmem>>
      %dma_start3A_63 = tpu.memref_squeeze %dma_start3A_62 : memref<1x128xi32, #tpu.memory_space<vmem>> -> memref<128xi32, #tpu.memory_space<vmem>>
      %dma_start3A_64 = arith.constant 79872 : i32
      %dma_start3A_65 = tpu.memref_slice %arg5[%dma_start3A_64] : memref<80000xi32, #tpu.memory_space<hbm>> -> memref<128xi32, #tpu.memory_space<hbm>>
      %dma_start3A_66 = arith.constant 0 : i32
      %dma_start3A_67 = tpu.memref_slice %arg11[%dma_start3A_60, %dma_start3A_66] : memref<2x4992xi32, #tpu.memory_space<vmem>> -> memref<1x128xi32, #tpu.memory_space<vmem>>
      %dma_start3A_68 = tpu.memref_squeeze %dma_start3A_67 : memref<1x128xi32, #tpu.memory_space<vmem>> -> memref<128xi32, #tpu.memory_space<vmem>>
      %dma_start3A_69 = arith.constant 79872 : i32
      %dma_start3A_70 = tpu.memref_slice %arg5[%dma_start3A_69] : memref<80000xi32, #tpu.memory_space<hbm>> -> memref<128xi32, #tpu.memory_space<hbm>>
      tpu.enqueue_dma source(%dma_start3A_70 : memref<128xi32, #tpu.memory_space<hbm>>) target(%dma_start3A_68 : memref<128xi32, #tpu.memory_space<vmem>>) target_semaphore(%arg16 : memref<!tpu.dma_semaphore, #tpu.memory_space<semaphore_mem>>)
      %dma_start3A_71 = arith.constant 1 : i32
      %dma_start3A_72 = arith.constant 0 : i32
      %dma_start3A_73 = tpu.memref_slice %arg11[%dma_start3A_71, %dma_start3A_72] : memref<2x4992xi32, #tpu.memory_space<vmem>> -> memref<1x128xi32, #tpu.memory_space<vmem>>
      %dma_start3A_74 = tpu.memref_squeeze %dma_start3A_73 : memref<1x128xi32, #tpu.memory_space<vmem>> -> memref<128xi32, #tpu.memory_space<vmem>>
      %dma_start3A_75 = arith.constant 79872 : i32
      %dma_start3A_76 = tpu.memref_slice %arg4[%dma_start3A_75] : memref<80000xi32, #tpu.memory_space<hbm>> -> memref<128xi32, #tpu.memory_space<hbm>>
      %dma_start3A_77 = arith.constant 0 : i32
      %dma_start3A_78 = tpu.memref_slice %arg11[%dma_start3A_71, %dma_start3A_77] : memref<2x4992xi32, #tpu.memory_space<vmem>> -> memref<1x128xi32, #tpu.memory_space<vmem>>
      %dma_start3A_79 = tpu.memref_squeeze %dma_start3A_78 : memref<1x128xi32, #tpu.memory_space<vmem>> -> memref<128xi32, #tpu.memory_space<vmem>>
      %dma_start3A_80 = arith.constant 79872 : i32
      %dma_start3A_81 = tpu.memref_slice %arg4[%dma_start3A_80] : memref<80000xi32, #tpu.memory_space<hbm>> -> memref<128xi32, #tpu.memory_space<hbm>>
      tpu.enqueue_dma source(%dma_start3A_81 : memref<128xi32, #tpu.memory_space<hbm>>) target(%dma_start3A_79 : memref<128xi32, #tpu.memory_space<vmem>>) target_semaphore(%arg16 : memref<!tpu.dma_semaphore, #tpu.memory_space<semaphore_mem>>)
      %dma_wait3A_82 = arith.constant 0 : i32
      %dma_wait3A_83 = arith.constant 0 : i32
      %dma_wait3A_84 = tpu.memref_slice %arg10[%dma_wait3A_82, %dma_wait3A_83] : memref<2x4992xi32, #tpu.memory_space<vmem>> -> memref<1x128xi32, #tpu.memory_space<vmem>>
      %dma_wait3A_85 = tpu.memref_squeeze %dma_wait3A_84 : memref<1x128xi32, #tpu.memory_space<vmem>> -> memref<128xi32, #tpu.memory_space<vmem>>
      %dma_wait3A_86 = arith.constant 79872 : i32
      %dma_wait3A_87 = tpu.memref_slice %arg4[%dma_wait3A_86] : memref<80000xi32, #tpu.memory_space<hbm>> -> memref<128xi32, #tpu.memory_space<hbm>>
      %dma_wait3A_88 = arith.constant 0 : i32
      %dma_wait3A_89 = tpu.memref_slice %arg10[%dma_wait3A_82, %dma_wait3A_88] : memref<2x4992xi32, #tpu.memory_space<vmem>> -> memref<1x128xi32, #tpu.memory_space<vmem>>
      %dma_wait3A_90 = tpu.memref_squeeze %dma_wait3A_89 : memref<1x128xi32, #tpu.memory_space<vmem>> -> memref<128xi32, #tpu.memory_space<vmem>>
      %dma_wait3A_91 = arith.constant 79872 : i32
      %dma_wait3A_92 = tpu.memref_slice %arg4[%dma_wait3A_91] : memref<80000xi32, #tpu.memory_space<hbm>> -> memref<128xi32, #tpu.memory_space<hbm>>
      tpu.wait_dma2 semaphore(%arg16 : memref<!tpu.dma_semaphore, #tpu.memory_space<semaphore_mem>>) src(%dma_wait3A_92 : memref<128xi32, #tpu.memory_space<hbm>>) dst(%dma_wait3A_90 : memref<128xi32, #tpu.memory_space<vmem>>)
      %dma_wait3A_93 = arith.constant 1 : i32
      %dma_wait3A_94 = arith.constant 0 : i32
      %dma_wait3A_95 = tpu.memref_slice %arg10[%dma_wait3A_93, %dma_wait3A_94] : memref<2x4992xi32, #tpu.memory_space<vmem>> -> memref<1x128xi32, #tpu.memory_space<vmem>>
      %dma_wait3A_96 = tpu.memref_squeeze %dma_wait3A_95 : memref<1x128xi32, #tpu.memory_space<vmem>> -> memref<128xi32, #tpu.memory_space<vmem>>
      %dma_wait3A_97 = arith.constant 79872 : i32
      %dma_wait3A_98 = tpu.memref_slice %arg5[%dma_wait3A_97] : memref<80000xi32, #tpu.memory_space<hbm>> -> memref<128xi32, #tpu.memory_space<hbm>>
      %dma_wait3A_99 = arith.constant 0 : i32
      %dma_wait3A_100 = tpu.memref_slice %arg10[%dma_wait3A_93, %dma_wait3A_99] : memref<2x4992xi32, #tpu.memory_space<vmem>> -> memref<1x128xi32, #tpu.memory_space<vmem>>
      %dma_wait3A_101 = tpu.memref_squeeze %dma_wait3A_100 : memref<1x128xi32, #tpu.memory_space<vmem>> -> memref<128xi32, #tpu.memory_space<vmem>>
      %dma_wait3A_102 = arith.constant 79872 : i32
      %dma_wait3A_103 = tpu.memref_slice %arg5[%dma_wait3A_102] : memref<80000xi32, #tpu.memory_space<hbm>> -> memref<128xi32, #tpu.memory_space<hbm>>
      tpu.wait_dma2 semaphore(%arg16 : memref<!tpu.dma_semaphore, #tpu.memory_space<semaphore_mem>>) src(%dma_wait3A_103 : memref<128xi32, #tpu.memory_space<hbm>>) dst(%dma_wait3A_101 : memref<128xi32, #tpu.memory_space<vmem>>)
      %dma_wait3A_104 = arith.constant 0 : i32
      %dma_wait3A_105 = arith.constant 0 : i32
      %dma_wait3A_106 = tpu.memref_slice %arg11[%dma_wait3A_104, %dma_wait3A_105] : memref<2x4992xi32, #tpu.memory_space<vmem>> -> memref<1x128xi32, #tpu.memory_space<vmem>>
      %dma_wait3A_107 = tpu.memref_squeeze %dma_wait3A_106 : memref<1x128xi32, #tpu.memory_space<vmem>> -> memref<128xi32, #tpu.memory_space<vmem>>
      %dma_wait3A_108 = arith.constant 79872 : i32
      %dma_wait3A_109 = tpu.memref_slice %arg5[%dma_wait3A_108] : memref<80000xi32, #tpu.memory_space<hbm>> -> memref<128xi32, #tpu.memory_space<hbm>>
      %dma_wait3A_110 = arith.constant 0 : i32
      %dma_wait3A_111 = tpu.memref_slice %arg11[%dma_wait3A_104, %dma_wait3A_110] : memref<2x4992xi32, #tpu.memory_space<vmem>> -> memref<1x128xi32, #tpu.memory_space<vmem>>
      %dma_wait3A_112 = tpu.memref_squeeze %dma_wait3A_111 : memref<1x128xi32, #tpu.memory_space<vmem>> -> memref<128xi32, #tpu.memory_space<vmem>>
      %dma_wait3A_113 = arith.constant 79872 : i32
      %dma_wait3A_114 = tpu.memref_slice %arg5[%dma_wait3A_113] : memref<80000xi32, #tpu.memory_space<hbm>> -> memref<128xi32, #tpu.memory_space<hbm>>
      tpu.wait_dma2 semaphore(%arg16 : memref<!tpu.dma_semaphore, #tpu.memory_space<semaphore_mem>>) src(%dma_wait3A_114 : memref<128xi32, #tpu.memory_space<hbm>>) dst(%dma_wait3A_112 : memref<128xi32, #tpu.memory_space<vmem>>)
      %dma_wait3A_115 = arith.constant 1 : i32
      %dma_wait3A_116 = arith.constant 0 : i32
      %dma_wait3A_117 = tpu.memref_slice %arg11[%dma_wait3A_115, %dma_wait3A_116] : memref<2x4992xi32, #tpu.memory_space<vmem>> -> memref<1x128xi32, #tpu.memory_space<vmem>>
      %dma_wait3A_118 = tpu.memref_squeeze %dma_wait3A_117 : memref<1x128xi32, #tpu.memory_space<vmem>> -> memref<128xi32, #tpu.memory_space<vmem>>
      %dma_wait3A_119 = arith.constant 79872 : i32
      %dma_wait3A_120 = tpu.memref_slice %arg4[%dma_wait3A_119] : memref<80000xi32, #tpu.memory_space<hbm>> -> memref<128xi32, #tpu.memory_space<hbm>>
      %dma_wait3A_121 = arith.constant 0 : i32
      %dma_wait3A_122 = tpu.memref_slice %arg11[%dma_wait3A_115, %dma_wait3A_121] : memref<2x4992xi32, #tpu.memory_space<vmem>> -> memref<1x128xi32, #tpu.memory_space<vmem>>
      %dma_wait3A_123 = tpu.memref_squeeze %dma_wait3A_122 : memref<1x128xi32, #tpu.memory_space<vmem>> -> memref<128xi32, #tpu.memory_space<vmem>>
      %dma_wait3A_124 = arith.constant 79872 : i32
      %dma_wait3A_125 = tpu.memref_slice %arg4[%dma_wait3A_124] : memref<80000xi32, #tpu.memory_space<hbm>> -> memref<128xi32, #tpu.memory_space<hbm>>
      tpu.wait_dma2 semaphore(%arg16 : memref<!tpu.dma_semaphore, #tpu.memory_space<semaphore_mem>>) src(%dma_wait3A_125 : memref<128xi32, #tpu.memory_space<hbm>>) dst(%dma_wait3A_123 : memref<128xi32, #tpu.memory_space<vmem>>)
      %dma_start3A_126 = arith.constant 0 : i32
      %dma_start3A_127 = arith.constant 0 : i32
      %dma_start3A_128 = tpu.memref_slice %arg10[%dma_start3A_126, %dma_start3A_127] : memref<2x4992xi32, #tpu.memory_space<vmem>> -> memref<2x128xi32, #tpu.memory_space<vmem>>
      %dma_start3A_129 = arith.constant 0 : i32
      %dma_start3A_130 = arith.constant 399872 : i32
      %dma_start3A_131 = tpu.memref_slice %arg7[%dma_start3A_129, %dma_start3A_130] : memref<2x480000xi32, #tpu.memory_space<hbm>> -> memref<2x128xi32, #tpu.memory_space<hbm>>
      %dma_start3A_132 = arith.constant 0 : i32
      %dma_start3A_133 = arith.constant 399872 : i32
      %dma_start3A_134 = tpu.memref_slice %arg7[%dma_start3A_132, %dma_start3A_133] : memref<2x480000xi32, #tpu.memory_space<hbm>> -> memref<2x128xi32, #tpu.memory_space<hbm>>
      %dma_start3A_135 = arith.constant 0 : i32
      %dma_start3A_136 = arith.constant 0 : i32
      %dma_start3A_137 = tpu.memref_slice %arg10[%dma_start3A_135, %dma_start3A_136] : memref<2x4992xi32, #tpu.memory_space<vmem>> -> memref<2x128xi32, #tpu.memory_space<vmem>>
      tpu.enqueue_dma source(%dma_start3A_137 : memref<2x128xi32, #tpu.memory_space<vmem>>) target(%dma_start3A_134 : memref<2x128xi32, #tpu.memory_space<hbm>>) target_semaphore(%arg17 : memref<!tpu.dma_semaphore, #tpu.memory_space<semaphore_mem>>)
      %dma_start3A_138 = arith.constant 0 : i32
      %dma_start3A_139 = arith.constant 0 : i32
      %dma_start3A_140 = tpu.memref_slice %arg11[%dma_start3A_138, %dma_start3A_139] : memref<2x4992xi32, #tpu.memory_space<vmem>> -> memref<2x128xi32, #tpu.memory_space<vmem>>
      %dma_start3A_141 = arith.constant 0 : i32
      %dma_start3A_142 = arith.constant 479872 : i32
      %dma_start3A_143 = tpu.memref_slice %arg7[%dma_start3A_141, %dma_start3A_142] : memref<2x480000xi32, #tpu.memory_space<hbm>> -> memref<2x128xi32, #tpu.memory_space<hbm>>
      %dma_start3A_144 = arith.constant 0 : i32
      %dma_start3A_145 = arith.constant 479872 : i32
      %dma_start3A_146 = tpu.memref_slice %arg7[%dma_start3A_144, %dma_start3A_145] : memref<2x480000xi32, #tpu.memory_space<hbm>> -> memref<2x128xi32, #tpu.memory_space<hbm>>
      %dma_start3A_147 = arith.constant 0 : i32
      %dma_start3A_148 = arith.constant 0 : i32
      %dma_start3A_149 = tpu.memref_slice %arg11[%dma_start3A_147, %dma_start3A_148] : memref<2x4992xi32, #tpu.memory_space<vmem>> -> memref<2x128xi32, #tpu.memory_space<vmem>>
      tpu.enqueue_dma source(%dma_start3A_149 : memref<2x128xi32, #tpu.memory_space<vmem>>) target(%dma_start3A_146 : memref<2x128xi32, #tpu.memory_space<hbm>>) target_semaphore(%arg17 : memref<!tpu.dma_semaphore, #tpu.memory_space<semaphore_mem>>)
      %dma_wait3A_150 = arith.constant 0 : i32
      %dma_wait3A_151 = arith.constant 0 : i32
      %dma_wait3A_152 = tpu.memref_slice %arg10[%dma_wait3A_150, %dma_wait3A_151] : memref<2x4992xi32, #tpu.memory_space<vmem>> -> memref<2x128xi32, #tpu.memory_space<vmem>>
      %dma_wait3A_153 = arith.constant 0 : i32
      %dma_wait3A_154 = arith.constant 399872 : i32
      %dma_wait3A_155 = tpu.memref_slice %arg7[%dma_wait3A_153, %dma_wait3A_154] : memref<2x480000xi32, #tpu.memory_space<hbm>> -> memref<2x128xi32, #tpu.memory_space<hbm>>
      %dma_wait3A_156 = arith.constant 0 : i32
      %dma_wait3A_157 = arith.constant 399872 : i32
      %dma_wait3A_158 = tpu.memref_slice %arg7[%dma_wait3A_156, %dma_wait3A_157] : memref<2x480000xi32, #tpu.memory_space<hbm>> -> memref<2x128xi32, #tpu.memory_space<hbm>>
      %dma_wait3A_159 = arith.constant 0 : i32
      %dma_wait3A_160 = arith.constant 0 : i32
      %dma_wait3A_161 = tpu.memref_slice %arg10[%dma_wait3A_159, %dma_wait3A_160] : memref<2x4992xi32, #tpu.memory_space<vmem>> -> memref<2x128xi32, #tpu.memory_space<vmem>>
      tpu.wait_dma2 semaphore(%arg17 : memref<!tpu.dma_semaphore, #tpu.memory_space<semaphore_mem>>) src(%dma_wait3A_161 : memref<2x128xi32, #tpu.memory_space<vmem>>) dst(%dma_wait3A_158 : memref<2x128xi32, #tpu.memory_space<hbm>>)
      %dma_wait3A_162 = arith.constant 0 : i32
      %dma_wait3A_163 = arith.constant 0 : i32
      %dma_wait3A_164 = tpu.memref_slice %arg11[%dma_wait3A_162, %dma_wait3A_163] : memref<2x4992xi32, #tpu.memory_space<vmem>> -> memref<2x128xi32, #tpu.memory_space<vmem>>
      %dma_wait3A_165 = arith.constant 0 : i32
      %dma_wait3A_166 = arith.constant 479872 : i32
      %dma_wait3A_167 = tpu.memref_slice %arg7[%dma_wait3A_165, %dma_wait3A_166] : memref<2x480000xi32, #tpu.memory_space<hbm>> -> memref<2x128xi32, #tpu.memory_space<hbm>>
      %dma_wait3A_168 = arith.constant 0 : i32
      %dma_wait3A_169 = arith.constant 479872 : i32
      %dma_wait3A_170 = tpu.memref_slice %arg7[%dma_wait3A_168, %dma_wait3A_169] : memref<2x480000xi32, #tpu.memory_space<hbm>> -> memref<2x128xi32, #tpu.memory_space<hbm>>
      %dma_wait3A_171 = arith.constant 0 : i32
      %dma_wait3A_172 = arith.constant 0 : i32
      %dma_wait3A_173 = tpu.memref_slice %arg11[%dma_wait3A_171, %dma_wait3A_172] : memref<2x4992xi32, #tpu.memory_space<vmem>> -> memref<2x128xi32, #tpu.memory_space<vmem>>
      tpu.wait_dma2 semaphore(%arg17 : memref<!tpu.dma_semaphore, #tpu.memory_space<semaphore_mem>>) src(%dma_wait3A_173 : memref<2x128xi32, #tpu.memory_space<vmem>>) dst(%dma_wait3A_170 : memref<2x128xi32, #tpu.memory_space<hbm>>)
    } else {
    }
    %dma_wait3A = arith.constant 0 : i32
    %dma_wait3A_16 = tpu.memref_slice %arg2[%dma_wait3A, %mul3A_2] : memref<2x320000xi32, #tpu.memory_space<hbm>> -> memref<2x9984xi32, #tpu.memory_space<hbm>>
    %dma_wait3A_17 = arith.constant 0 : i32
    %dma_wait3A_18 = tpu.memref_slice %arg2[%dma_wait3A_17, %mul3A_2] : memref<2x320000xi32, #tpu.memory_space<hbm>> -> memref<2x9984xi32, #tpu.memory_space<hbm>>
    tpu.wait_dma2 semaphore(%arg14 : memref<!tpu.dma_semaphore, #tpu.memory_space<semaphore_mem>>) src(%dma_wait3A_18 : memref<2x9984xi32, #tpu.memory_space<hbm>>) dst(%arg9 : memref<2x9984xi32, #tpu.memory_space<vmem>>)
    %dma_wait3A_19 = tpu.memref_slice %arg3[%mul3A_4] : memref<320000xf32, #tpu.memory_space<hbm>> -> memref<10000xf32, #tpu.memory_space<hbm>>
    %dma_wait3A_20 = tpu.memref_slice %arg3[%mul3A_4] : memref<320000xf32, #tpu.memory_space<hbm>> -> memref<10000xf32, #tpu.memory_space<hbm>>
    tpu.wait_dma2 semaphore(%arg14 : memref<!tpu.dma_semaphore, #tpu.memory_space<semaphore_mem>>) src(%dma_wait3A_20 : memref<10000xf32, #tpu.memory_space<hbm>>) dst(%arg12 : memref<10000xf32, #tpu.memory_space<vmem>>)
    %dma_start3A_21 = arith.constant 0 : i32
    %dma_start3A_22 = tpu.memref_slice %arg7[%dma_start3A_21, %mul3A_2] : memref<2x480000xi32, #tpu.memory_space<hbm>> -> memref<2x9984xi32, #tpu.memory_space<hbm>>
    %dma_start3A_23 = arith.constant 0 : i32
    %dma_start3A_24 = tpu.memref_slice %arg7[%dma_start3A_23, %mul3A_2] : memref<2x480000xi32, #tpu.memory_space<hbm>> -> memref<2x9984xi32, #tpu.memory_space<hbm>>
    tpu.enqueue_dma source(%arg9 : memref<2x9984xi32, #tpu.memory_space<vmem>>) target(%dma_start3A_24 : memref<2x9984xi32, #tpu.memory_space<hbm>>) target_semaphore(%arg15 : memref<!tpu.dma_semaphore, #tpu.memory_space<semaphore_mem>>)
    %dma_start3A_25 = tpu.memref_slice %arg8[%mul3A_4] : memref<480000xf32, #tpu.memory_space<hbm>> -> memref<10000xf32, #tpu.memory_space<hbm>>
    %dma_start3A_26 = tpu.memref_slice %arg8[%mul3A_4] : memref<480000xf32, #tpu.memory_space<hbm>> -> memref<10000xf32, #tpu.memory_space<hbm>>
    tpu.enqueue_dma source(%arg12 : memref<10000xf32, #tpu.memory_space<vmem>>) target(%dma_start3A_26 : memref<10000xf32, #tpu.memory_space<hbm>>) target_semaphore(%arg15 : memref<!tpu.dma_semaphore, #tpu.memory_space<semaphore_mem>>)
    %dma_wait3A_27 = arith.constant 0 : i32
    %dma_wait3A_28 = tpu.memref_slice %arg7[%dma_wait3A_27, %mul3A_2] : memref<2x480000xi32, #tpu.memory_space<hbm>> -> memref<2x9984xi32, #tpu.memory_space<hbm>>
    %dma_wait3A_29 = arith.constant 0 : i32
    %dma_wait3A_30 = tpu.memref_slice %arg7[%dma_wait3A_29, %mul3A_2] : memref<2x480000xi32, #tpu.memory_space<hbm>> -> memref<2x9984xi32, #tpu.memory_space<hbm>>
    tpu.wait_dma2 semaphore(%arg15 : memref<!tpu.dma_semaphore, #tpu.memory_space<semaphore_mem>>) src(%arg9 : memref<2x9984xi32, #tpu.memory_space<vmem>>) dst(%dma_wait3A_30 : memref<2x9984xi32, #tpu.memory_space<hbm>>)
    %dma_wait3A_31 = tpu.memref_slice %arg8[%mul3A_4] : memref<480000xf32, #tpu.memory_space<hbm>> -> memref<10000xf32, #tpu.memory_space<hbm>>
    %dma_wait3A_32 = tpu.memref_slice %arg8[%mul3A_4] : memref<480000xf32, #tpu.memory_space<hbm>> -> memref<10000xf32, #tpu.memory_space<hbm>>
    tpu.wait_dma2 semaphore(%arg15 : memref<!tpu.dma_semaphore, #tpu.memory_space<semaphore_mem>>) src(%arg12 : memref<10000xf32, #tpu.memory_space<vmem>>) dst(%dma_wait3A_32 : memref<10000xf32, #tpu.memory_space<hbm>>)
    %eq3A_33 = arith.constant 0 : i32
    %eq3A_34 = arith.cmpi eq, %add3A, %eq3A_33 : i32
    %convert_element_type3A_35 = arith.extui %eq3A_34 : i1 to i32
    %cond3A_36 = arith.constant 0 : i32
    %cond3A_37 = arith.cmpi ne, %convert_element_type3A_35, %cond3A_36 : i32
    scf.if %cond3A_37 {
      "tpu.region"() ({
        %run_scoped3A = tpu.sem_alloc : memref<!tpu.dma_semaphore, #tpu.memory_space<semaphore_mem>>
        %dma_start3A_38 = arith.constant 0 : i32
        %dma_start3A_39 = arith.constant 0 : i32
        %dma_start3A_40 = tpu.memref_slice %arg9[%dma_start3A_38, %dma_start3A_39] : memref<2x9984xi32, #tpu.memory_space<vmem>> -> memref<2x512xi32, #tpu.memory_space<vmem>>
        %dma_start3A_41 = arith.constant 0 : i32
        %dma_start3A_42 = arith.constant 319488 : i32
        %dma_start3A_43 = tpu.memref_slice %arg2[%dma_start3A_41, %dma_start3A_42] : memref<2x320000xi32, #tpu.memory_space<hbm>> -> memref<2x512xi32, #tpu.memory_space<hbm>>
        %dma_start3A_44 = arith.constant 0 : i32
        %dma_start3A_45 = arith.constant 0 : i32
        %dma_start3A_46 = tpu.memref_slice %arg9[%dma_start3A_44, %dma_start3A_45] : memref<2x9984xi32, #tpu.memory_space<vmem>> -> memref<2x512xi32, #tpu.memory_space<vmem>>
        %dma_start3A_47 = arith.constant 0 : i32
        %dma_start3A_48 = arith.constant 319488 : i32
        %dma_start3A_49 = tpu.memref_slice %arg2[%dma_start3A_47, %dma_start3A_48] : memref<2x320000xi32, #tpu.memory_space<hbm>> -> memref<2x512xi32, #tpu.memory_space<hbm>>
        tpu.enqueue_dma source(%dma_start3A_49 : memref<2x512xi32, #tpu.memory_space<hbm>>) target(%dma_start3A_46 : memref<2x512xi32, #tpu.memory_space<vmem>>) target_semaphore(%run_scoped3A : memref<!tpu.dma_semaphore, #tpu.memory_space<semaphore_mem>>)
        %dma_wait3A_50 = arith.constant 0 : i32
        %dma_wait3A_51 = arith.constant 0 : i32
        %dma_wait3A_52 = tpu.memref_slice %arg9[%dma_wait3A_50, %dma_wait3A_51] : memref<2x9984xi32, #tpu.memory_space<vmem>> -> memref<2x512xi32, #tpu.memory_space<vmem>>
        %dma_wait3A_53 = arith.constant 0 : i32
        %dma_wait3A_54 = arith.constant 319488 : i32
        %dma_wait3A_55 = tpu.memref_slice %arg2[%dma_wait3A_53, %dma_wait3A_54] : memref<2x320000xi32, #tpu.memory_space<hbm>> -> memref<2x512xi32, #tpu.memory_space<hbm>>
        %dma_wait3A_56 = arith.constant 0 : i32
        %dma_wait3A_57 = arith.constant 0 : i32
        %dma_wait3A_58 = tpu.memref_slice %arg9[%dma_wait3A_56, %dma_wait3A_57] : memref<2x9984xi32, #tpu.memory_space<vmem>> -> memref<2x512xi32, #tpu.memory_space<vmem>>
        %dma_wait3A_59 = arith.constant 0 : i32
        %dma_wait3A_60 = arith.constant 319488 : i32
        %dma_wait3A_61 = tpu.memref_slice %arg2[%dma_wait3A_59, %dma_wait3A_60] : memref<2x320000xi32, #tpu.memory_space<hbm>> -> memref<2x512xi32, #tpu.memory_space<hbm>>
        tpu.wait_dma2 semaphore(%run_scoped3A : memref<!tpu.dma_semaphore, #tpu.memory_space<semaphore_mem>>) src(%dma_wait3A_61 : memref<2x512xi32, #tpu.memory_space<hbm>>) dst(%dma_wait3A_58 : memref<2x512xi32, #tpu.memory_space<vmem>>)
        tpu.yield
      }) : () -> ()
      "tpu.region"() ({
        %run_scoped3A = tpu.sem_alloc : memref<!tpu.dma_semaphore, #tpu.memory_space<semaphore_mem>>
        %dma_start3A_38 = arith.constant 0 : i32
        %dma_start3A_39 = arith.constant 0 : i32
        %dma_start3A_40 = tpu.memref_slice %arg9[%dma_start3A_38, %dma_start3A_39] : memref<2x9984xi32, #tpu.memory_space<vmem>> -> memref<2x512xi32, #tpu.memory_space<vmem>>
        %dma_start3A_41 = arith.constant 0 : i32
        %dma_start3A_42 = arith.constant 319488 : i32
        %dma_start3A_43 = tpu.memref_slice %arg7[%dma_start3A_41, %dma_start3A_42] : memref<2x480000xi32, #tpu.memory_space<hbm>> -> memref<2x512xi32, #tpu.memory_space<hbm>>
        %dma_start3A_44 = arith.constant 0 : i32
        %dma_start3A_45 = arith.constant 319488 : i32
        %dma_start3A_46 = tpu.memref_slice %arg7[%dma_start3A_44, %dma_start3A_45] : memref<2x480000xi32, #tpu.memory_space<hbm>> -> memref<2x512xi32, #tpu.memory_space<hbm>>
        %dma_start3A_47 = arith.constant 0 : i32
        %dma_start3A_48 = arith.constant 0 : i32
        %dma_start3A_49 = tpu.memref_slice %arg9[%dma_start3A_47, %dma_start3A_48] : memref<2x9984xi32, #tpu.memory_space<vmem>> -> memref<2x512xi32, #tpu.memory_space<vmem>>
        tpu.enqueue_dma source(%dma_start3A_49 : memref<2x512xi32, #tpu.memory_space<vmem>>) target(%dma_start3A_46 : memref<2x512xi32, #tpu.memory_space<hbm>>) target_semaphore(%run_scoped3A : memref<!tpu.dma_semaphore, #tpu.memory_space<semaphore_mem>>)
        %dma_wait3A_50 = arith.constant 0 : i32
        %dma_wait3A_51 = arith.constant 0 : i32
        %dma_wait3A_52 = tpu.memref_slice %arg9[%dma_wait3A_50, %dma_wait3A_51] : memref<2x9984xi32, #tpu.memory_space<vmem>> -> memref<2x512xi32, #tpu.memory_space<vmem>>
        %dma_wait3A_53 = arith.constant 0 : i32
        %dma_wait3A_54 = arith.constant 319488 : i32
        %dma_wait3A_55 = tpu.memref_slice %arg7[%dma_wait3A_53, %dma_wait3A_54] : memref<2x480000xi32, #tpu.memory_space<hbm>> -> memref<2x512xi32, #tpu.memory_space<hbm>>
        %dma_wait3A_56 = arith.constant 0 : i32
        %dma_wait3A_57 = arith.constant 319488 : i32
        %dma_wait3A_58 = tpu.memref_slice %arg7[%dma_wait3A_56, %dma_wait3A_57] : memref<2x480000xi32, #tpu.memory_space<hbm>> -> memref<2x512xi32, #tpu.memory_space<hbm>>
        %dma_wait3A_59 = arith.constant 0 : i32
        %dma_wait3A_60 = arith.constant 0 : i32
        %dma_wait3A_61 = tpu.memref_slice %arg9[%dma_wait3A_59, %dma_wait3A_60] : memref<2x9984xi32, #tpu.memory_space<vmem>> -> memref<2x512xi32, #tpu.memory_space<vmem>>
        tpu.wait_dma2 semaphore(%run_scoped3A : memref<!tpu.dma_semaphore, #tpu.memory_space<semaphore_mem>>) src(%dma_wait3A_61 : memref<2x512xi32, #tpu.memory_space<vmem>>) dst(%dma_wait3A_58 : memref<2x512xi32, #tpu.memory_space<hbm>>)
        tpu.yield
      }) : () -> ()
    } else {
    }
    return
  }
}

module attributes {stable_mosaic.version = 14 : i64} {
  func.func @_emb_kernel(%arg0: memref<4000x256xf32, #tpu.memory_space<vmem>>, %arg1: memref<1x256xf32, #tpu.memory_space<vmem>>, %arg2: memref<1x256xf32, #tpu.memory_space<vmem>>, %arg3: memref<4000x256xf32, #tpu.memory_space<vmem>>) attributes {dimension_semantics = [], scalar_prefetch = 0 : i64, scratch_operands = 0 : i64, tpu.core_type = #tpu.core_type<tc>} {
    %get3A = arith.constant 0 : index
    %get3A_0 = arith.constant 0 : index
    %get3A_1 = vector.load %arg0[%get3A, %get3A_0] : memref<4000x256xf32, #tpu.memory_space<vmem>>, vector<4000x256xf32>
    %get3A_2 = arith.constant 0 : index
    %get3A_3 = arith.constant 0 : index
    %get3A_4 = vector.load %arg1[%get3A_2, %get3A_3] : memref<1x256xf32, #tpu.memory_space<vmem>>, vector<1x256xf32>
    %mul3A = vector.broadcast %get3A_4 : vector<1x256xf32> to vector<4000x256xf32>
    %mul3A_5 = arith.mulf %get3A_1, %mul3A : vector<4000x256xf32>
    %max3A = arith.constant 0.000000e+00 : f32
    %max3A_6 = vector.broadcast %max3A : f32 to vector<4000x256xf32>
    %max3A_7 = arith.maximumf %mul3A_5, %max3A_6 : vector<4000x256xf32>
    %get3A_8 = arith.constant 0 : index
    %get3A_9 = arith.constant 0 : index
    %get3A_10 = vector.load %arg2[%get3A_8, %get3A_9] : memref<1x256xf32, #tpu.memory_space<vmem>>, vector<1x256xf32>
    %mul3A_11 = vector.broadcast %get3A_10 : vector<1x256xf32> to vector<4000x256xf32>
    %mul3A_12 = arith.mulf %max3A_7, %mul3A_11 : vector<4000x256xf32>
    %mul3A_13 = arith.mulf %mul3A_12, %mul3A_12 : vector<4000x256xf32>
    %reduce_sum3A = arith.constant dense<0.000000e+00> : vector<4000xf32>
    %reduce_sum3A_14 = vector.multi_reduction <add>, %mul3A_13, %reduce_sum3A [1] : vector<4000x256xf32> to vector<4000xf32>
    %broadcast_in_dim3A = vector.shape_cast %reduce_sum3A_14 : vector<4000xf32> to vector<4000x1xf32>
    %sqrt3A = math.sqrt %broadcast_in_dim3A : vector<4000x1xf32>
    %add3A = arith.constant 9.99999993E-9 : f32
    %add3A_15 = vector.broadcast %add3A : f32 to vector<4000x1xf32>
    %add3A_16 = arith.addf %sqrt3A, %add3A_15 : vector<4000x1xf32>
    %div3A = vector.broadcast %add3A_16 : vector<4000x1xf32> to vector<4000x256xf32>
    %div3A_17 = arith.divf %mul3A_12, %div3A : vector<4000x256xf32>
    %swap3A = arith.constant 0 : index
    %swap3A_18 = arith.constant 0 : index
    %swap3A_19 = vector.load %arg3[%swap3A, %swap3A_18] : memref<4000x256xf32, #tpu.memory_space<vmem>>, vector<4000x256xf32>
    tpu.vector_store %arg3[%swap3A, %swap3A_18], %div3A_17 {strides = array<i32>} : memref<4000x256xf32, #tpu.memory_space<vmem>>, vector<4000x256xf32>,
    return
  }
}

module attributes {stable_mosaic.version = 14 : i64} {
  func.func @_topk_kernel(%arg0: i32, %arg1: memref<1x1xf32, #tpu.memory_space<vmem>>, %arg2: memref<400x256xf32, #tpu.memory_space<vmem>>, %arg3: memref<4000x256xf32, #tpu.memory_space<vmem>>, %arg4: memref<400x20xi32, #tpu.memory_space<vmem>>, %arg5: memref<400x20xf32, #tpu.memory_space<vmem>>, %arg6: memref<400x20xi32, #tpu.memory_space<vmem>>) attributes {dimension_semantics = [#tpu.dimension_semantics<arbitrary>], iteration_bounds = array<i64: 10>, scalar_prefetch = 0 : i64, scratch_operands = 0 : i64, tpu.core_type = #tpu.core_type<tc>, window_params = [{pipeline_mode = #tpu.pipeline_mode<synchronous>, transform_indices = @transform_0, window_bounds = array<i64: 1, 1>}, {transform_indices = @transform_1, window_bounds = array<i64: 400, 256>}, {pipeline_mode = #tpu.pipeline_mode<synchronous>, transform_indices = @transform_2, window_bounds = array<i64: 4000, 256>}, {transform_indices = @transform_3, window_bounds = array<i64: 400, 20>}, {transform_indices = @transform_4, window_bounds = array<i64: 400, 20>}, {transform_indices = @transform_5, window_bounds = array<i64: 400, 20>}]} {
    %get3A = arith.constant 0 : index
    %get3A_0 = arith.constant 0 : index
    %get3A_1 = vector.load %arg2[%get3A, %get3A_0] : memref<400x256xf32, #tpu.memory_space<vmem>>, vector<400x256xf32>
    %get3A_2 = arith.constant 0 : index
    %get3A_3 = arith.constant 0 : index
    %get3A_4 = vector.load %arg3[%get3A_2, %get3A_3] : memref<4000x256xf32, #tpu.memory_space<vmem>>, vector<4000x256xf32>
    %dot_general3A = arith.constant dense<0.000000e+00> : vector<400x4000xf32>
    %dot_general3A_5 = tpu.matmul %get3A_1, %get3A_4, %dot_general3A {dimension_numbers = #tpu.dot_dimension_numbers<[1], [1], [0], [0], [0, 0, 1, 0], [], []>, transpose_lhs_hint = false} : vector<400x256xf32>, vector<4000x256xf32>, vector<400x4000xf32> -> vector<400x4000xf32>
    %iota3A = tpu.iota {dimensions = array<i32: 1>} : vector<400x4000xi32>
    %sub3A = arith.constant 4000 : i32
    %sub3A_6 = vector.broadcast %sub3A : i32 to vector<400x4000xi32>
    %sub3A_7 = arith.subi %sub3A_6, %iota3A : vector<400x4000xi32>
    %convert_element_type3A = arith.sitofp %sub3A_7 : vector<400x4000xi32> to vector<400x4000xf32>
    %reduce_max3A = arith.constant dense<0xFF800000> : vector<400xf32>
    %reduce_max3A_8 = vector.multi_reduction <maximumf>, %dot_general3A_5, %reduce_max3A [1] : vector<400x4000xf32> to vector<400xf32>
    %broadcast_in_dim3A = vector.shape_cast %reduce_max3A_8 : vector<400xf32> to vector<400x1xf32>
    %eq3A = vector.broadcast %broadcast_in_dim3A : vector<400x1xf32> to vector<400x4000xf32>
    %eq3A_9 = arith.cmpf oeq, %dot_general3A_5, %eq3A : vector<400x4000xf32>
    %jit3A = arith.constant 0.000000e+00 : f32
    %broadcast_in_dim3A_10 = vector.broadcast %jit3A : f32 to vector<400x4000xf32>
    %select_n3A = arith.select %eq3A_9, %convert_element_type3A, %broadcast_in_dim3A_10 : vector<400x4000xi1>, vector<400x4000xf32>
    %reduce_max3A_11 = arith.constant dense<0xFF800000> : vector<400xf32>
    %reduce_max3A_12 = vector.multi_reduction <maximumf>, %select_n3A, %reduce_max3A_11 [1] : vector<400x4000xf32> to vector<400xf32>
    %broadcast_in_dim3A_13 = vector.shape_cast %reduce_max3A_12 : vector<400xf32> to vector<400x1xf32>
    %eq3A_14 = vector.broadcast %broadcast_in_dim3A_13 : vector<400x1xf32> to vector<400x4000xf32>
    %eq3A_15 = arith.cmpf oeq, %select_n3A, %eq3A_14 : vector<400x4000xf32>
    %jit3A_16 = arith.constant 0xFF800000 : f32
    %broadcast_in_dim3A_17 = vector.broadcast %jit3A_16 : f32 to vector<400x4000xf32>
    %select_n3A_18 = arith.select %eq3A_15, %broadcast_in_dim3A_17, %dot_general3A_5 : vector<400x4000xi1>, vector<400x4000xf32>
    %reduce_max3A_19 = arith.constant dense<0xFF800000> : vector<400xf32>
    %reduce_max3A_20 = vector.multi_reduction <maximumf>, %select_n3A_18, %reduce_max3A_19 [1] : vector<400x4000xf32> to vector<400xf32>
    %broadcast_in_dim3A_21 = vector.shape_cast %reduce_max3A_20 : vector<400xf32> to vector<400x1xf32>
    %eq3A_22 = vector.broadcast %broadcast_in_dim3A_21 : vector<400x1xf32> to vector<400x4000xf32>
    %eq3A_23 = arith.cmpf oeq, %select_n3A_18, %eq3A_22 : vector<400x4000xf32>
    %jit3A_24 = arith.constant 0.000000e+00 : f32
    %broadcast_in_dim3A_25 = vector.broadcast %jit3A_24 : f32 to vector<400x4000xf32>
    %select_n3A_26 = arith.select %eq3A_23, %convert_element_type3A, %broadcast_in_dim3A_25 : vector<400x4000xi1>, vector<400x4000xf32>
    %reduce_max3A_27 = arith.constant dense<0xFF800000> : vector<400xf32>
    %reduce_max3A_28 = vector.multi_reduction <maximumf>, %select_n3A_26, %reduce_max3A_27 [1] : vector<400x4000xf32> to vector<400xf32>
    %broadcast_in_dim3A_29 = vector.shape_cast %reduce_max3A_28 : vector<400xf32> to vector<400x1xf32>
    %eq3A_30 = vector.broadcast %broadcast_in_dim3A_29 : vector<400x1xf32> to vector<400x4000xf32>
    %eq3A_31 = arith.cmpf oeq, %select_n3A_26, %eq3A_30 : vector<400x4000xf32>
    %jit3A_32 = arith.constant 0xFF800000 : f32
    %broadcast_in_dim3A_33 = vector.broadcast %jit3A_32 : f32 to vector<400x4000xf32>
    %select_n3A_34 = arith.select %eq3A_31, %broadcast_in_dim3A_33, %select_n3A_18 : vector<400x4000xi1>, vector<400x4000xf32>
    %reduce_max3A_35 = arith.constant dense<0xFF800000> : vector<400xf32>
    %reduce_max3A_36 = vector.multi_reduction <maximumf>, %select_n3A_34, %reduce_max3A_35 [1] : vector<400x4000xf32> to vector<400xf32>
    %broadcast_in_dim3A_37 = vector.shape_cast %reduce_max3A_36 : vector<400xf32> to vector<400x1xf32>
    %eq3A_38 = vector.broadcast %broadcast_in_dim3A_37 : vector<400x1xf32> to vector<400x4000xf32>
    %eq3A_39 = arith.cmpf oeq, %select_n3A_34, %eq3A_38 : vector<400x4000xf32>
    %jit3A_40 = arith.constant 0.000000e+00 : f32
    %broadcast_in_dim3A_41 = vector.broadcast %jit3A_40 : f32 to vector<400x4000xf32>
    %select_n3A_42 = arith.select %eq3A_39, %convert_element_type3A, %broadcast_in_dim3A_41 : vector<400x4000xi1>, vector<400x4000xf32>
    %reduce_max3A_43 = arith.constant dense<0xFF800000> : vector<400xf32>
    %reduce_max3A_44 = vector.multi_reduction <maximumf>, %select_n3A_42, %reduce_max3A_43 [1] : vector<400x4000xf32> to vector<400xf32>
    %broadcast_in_dim3A_45 = vector.shape_cast %reduce_max3A_44 : vector<400xf32> to vector<400x1xf32>
    %eq3A_46 = vector.broadcast %broadcast_in_dim3A_45 : vector<400x1xf32> to vector<400x4000xf32>
    %eq3A_47 = arith.cmpf oeq, %select_n3A_42, %eq3A_46 : vector<400x4000xf32>
    %jit3A_48 = arith.constant 0xFF800000 : f32
    %broadcast_in_dim3A_49 = vector.broadcast %jit3A_48 : f32 to vector<400x4000xf32>
    %select_n3A_50 = arith.select %eq3A_47, %broadcast_in_dim3A_49, %select_n3A_34 : vector<400x4000xi1>, vector<400x4000xf32>
    %reduce_max3A_51 = arith.constant dense<0xFF800000> : vector<400xf32>
    %reduce_max3A_52 = vector.multi_reduction <maximumf>, %select_n3A_50, %reduce_max3A_51 [1] : vector<400x4000xf32> to vector<400xf32>
    %broadcast_in_dim3A_53 = vector.shape_cast %reduce_max3A_52 : vector<400xf32> to vector<400x1xf32>
    %eq3A_54 = vector.broadcast %broadcast_in_dim3A_53 : vector<400x1xf32> to vector<400x4000xf32>
    %eq3A_55 = arith.cmpf oeq, %select_n3A_50, %eq3A_54 : vector<400x4000xf32>
    %jit3A_56 = arith.constant 0.000000e+00 : f32
    %broadcast_in_dim3A_57 = vector.broadcast %jit3A_56 : f32 to vector<400x4000xf32>
    %select_n3A_58 = arith.select %eq3A_55, %convert_element_type3A, %broadcast_in_dim3A_57 : vector<400x4000xi1>, vector<400x4000xf32>
    %reduce_max3A_59 = arith.constant dense<0xFF800000> : vector<400xf32>
    %reduce_max3A_60 = vector.multi_reduction <maximumf>, %select_n3A_58, %reduce_max3A_59 [1] : vector<400x4000xf32> to vector<400xf32>
    %broadcast_in_dim3A_61 = vector.shape_cast %reduce_max3A_60 : vector<400xf32> to vector<400x1xf32>
    %eq3A_62 = vector.broadcast %broadcast_in_dim3A_61 : vector<400x1xf32> to vector<400x4000xf32>
    %eq3A_63 = arith.cmpf oeq, %select_n3A_58, %eq3A_62 : vector<400x4000xf32>
    %jit3A_64 = arith.constant 0xFF800000 : f32
    %broadcast_in_dim3A_65 = vector.broadcast %jit3A_64 : f32 to vector<400x4000xf32>
    %select_n3A_66 = arith.select %eq3A_63, %broadcast_in_dim3A_65, %select_n3A_50 : vector<400x4000xi1>, vector<400x4000xf32>
    %reduce_max3A_67 = arith.constant dense<0xFF800000> : vector<400xf32>
    %reduce_max3A_68 = vector.multi_reduction <maximumf>, %select_n3A_66, %reduce_max3A_67 [1] : vector<400x4000xf32> to vector<400xf32>
    %broadcast_in_dim3A_69 = vector.shape_cast %reduce_max3A_68 : vector<400xf32> to vector<400x1xf32>
    %eq3A_70 = vector.broadcast %broadcast_in_dim3A_69 : vector<400x1xf32> to vector<400x4000xf32>
    %eq3A_71 = arith.cmpf oeq, %select_n3A_66, %eq3A_70 : vector<400x4000xf32>
    %jit3A_72 = arith.constant 0.000000e+00 : f32
    %broadcast_in_dim3A_73 = vector.broadcast %jit3A_72 : f32 to vector<400x4000xf32>
    %select_n3A_74 = arith.select %eq3A_71, %convert_element_type3A, %broadcast_in_dim3A_73 : vector<400x4000xi1>, vector<400x4000xf32>
    %reduce_max3A_75 = arith.constant dense<0xFF800000> : vector<400xf32>
    %reduce_max3A_76 = vector.multi_reduction <maximumf>, %select_n3A_74, %reduce_max3A_75 [1] : vector<400x4000xf32> to vector<400xf32>
    %broadcast_in_dim3A_77 = vector.shape_cast %reduce_max3A_76 : vector<400xf32> to vector<400x1xf32>
    %eq3A_78 = vector.broadcast %broadcast_in_dim3A_77 : vector<400x1xf32> to vector<400x4000xf32>
    %eq3A_79 = arith.cmpf oeq, %select_n3A_74, %eq3A_78 : vector<400x4000xf32>
    %jit3A_80 = arith.constant 0xFF800000 : f32
    %broadcast_in_dim3A_81 = vector.broadcast %jit3A_80 : f32 to vector<400x4000xf32>
    %select_n3A_82 = arith.select %eq3A_79, %broadcast_in_dim3A_81, %select_n3A_66 : vector<400x4000xi1>, vector<400x4000xf32>
    %reduce_max3A_83 = arith.constant dense<0xFF800000> : vector<400xf32>
    %reduce_max3A_84 = vector.multi_reduction <maximumf>, %select_n3A_82, %reduce_max3A_83 [1] : vector<400x4000xf32> to vector<400xf32>
    %broadcast_in_dim3A_85 = vector.shape_cast %reduce_max3A_84 : vector<400xf32> to vector<400x1xf32>
    %eq3A_86 = vector.broadcast %broadcast_in_dim3A_85 : vector<400x1xf32> to vector<400x4000xf32>
    %eq3A_87 = arith.cmpf oeq, %select_n3A_82, %eq3A_86 : vector<400x4000xf32>
    %jit3A_88 = arith.constant 0.000000e+00 : f32
    %broadcast_in_dim3A_89 = vector.broadcast %jit3A_88 : f32 to vector<400x4000xf32>
    %select_n3A_90 = arith.select %eq3A_87, %convert_element_type3A, %broadcast_in_dim3A_89 : vector<400x4000xi1>, vector<400x4000xf32>
    %reduce_max3A_91 = arith.constant dense<0xFF800000> : vector<400xf32>
    %reduce_max3A_92 = vector.multi_reduction <maximumf>, %select_n3A_90, %reduce_max3A_91 [1] : vector<400x4000xf32> to vector<400xf32>
    %broadcast_in_dim3A_93 = vector.shape_cast %reduce_max3A_92 : vector<400xf32> to vector<400x1xf32>
    %eq3A_94 = vector.broadcast %broadcast_in_dim3A_93 : vector<400x1xf32> to vector<400x4000xf32>
    %eq3A_95 = arith.cmpf oeq, %select_n3A_90, %eq3A_94 : vector<400x4000xf32>
    %jit3A_96 = arith.constant 0xFF800000 : f32
    %broadcast_in_dim3A_97 = vector.broadcast %jit3A_96 : f32 to vector<400x4000xf32>
    %select_n3A_98 = arith.select %eq3A_95, %broadcast_in_dim3A_97, %select_n3A_82 : vector<400x4000xi1>, vector<400x4000xf32>
    %reduce_max3A_99 = arith.constant dense<0xFF800000> : vector<400xf32>
    %reduce_max3A_100 = vector.multi_reduction <maximumf>, %select_n3A_98, %reduce_max3A_99 [1] : vector<400x4000xf32> to vector<400xf32>
    %broadcast_in_dim3A_101 = vector.shape_cast %reduce_max3A_100 : vector<400xf32> to vector<400x1xf32>
    %eq3A_102 = vector.broadcast %broadcast_in_dim3A_101 : vector<400x1xf32> to vector<400x4000xf32>
    %eq3A_103 = arith.cmpf oeq, %select_n3A_98, %eq3A_102 : vector<400x4000xf32>
    %jit3A_104 = arith.constant 0.000000e+00 : f32
    %broadcast_in_dim3A_105 = vector.broadcast %jit3A_104 : f32 to vector<400x4000xf32>
    %select_n3A_106 = arith.select %eq3A_103, %convert_element_type3A, %broadcast_in_dim3A_105 : vector<400x4000xi1>, vector<400x4000xf32>
    %reduce_max3A_107 = arith.constant dense<0xFF800000> : vector<400xf32>
    %reduce_max3A_108 = vector.multi_reduction <maximumf>, %select_n3A_106, %reduce_max3A_107 [1] : vector<400x4000xf32> to vector<400xf32>
    %broadcast_in_dim3A_109 = vector.shape_cast %reduce_max3A_108 : vector<400xf32> to vector<400x1xf32>
    %eq3A_110 = vector.broadcast %broadcast_in_dim3A_109 : vector<400x1xf32> to vector<400x4000xf32>
    %eq3A_111 = arith.cmpf oeq, %select_n3A_106, %eq3A_110 : vector<400x4000xf32>
    %jit3A_112 = arith.constant 0xFF800000 : f32
    %broadcast_in_dim3A_113 = vector.broadcast %jit3A_112 : f32 to vector<400x4000xf32>
    %select_n3A_114 = arith.select %eq3A_111, %broadcast_in_dim3A_113, %select_n3A_98 : vector<400x4000xi1>, vector<400x4000xf32>
    %reduce_max3A_115 = arith.constant dense<0xFF800000> : vector<400xf32>
    %reduce_max3A_116 = vector.multi_reduction <maximumf>, %select_n3A_114, %reduce_max3A_115 [1] : vector<400x4000xf32> to vector<400xf32>
    %broadcast_in_dim3A_117 = vector.shape_cast %reduce_max3A_116 : vector<400xf32> to vector<400x1xf32>
    %eq3A_118 = vector.broadcast %broadcast_in_dim3A_117 : vector<400x1xf32> to vector<400x4000xf32>
    %eq3A_119 = arith.cmpf oeq, %select_n3A_114, %eq3A_118 : vector<400x4000xf32>
    %jit3A_120 = arith.constant 0.000000e+00 : f32
    %broadcast_in_dim3A_121 = vector.broadcast %jit3A_120 : f32 to vector<400x4000xf32>
    %select_n3A_122 = arith.select %eq3A_119, %convert_element_type3A, %broadcast_in_dim3A_121 : vector<400x4000xi1>, vector<400x4000xf32>
    %reduce_max3A_123 = arith.constant dense<0xFF800000> : vector<400xf32>
    %reduce_max3A_124 = vector.multi_reduction <maximumf>, %select_n3A_122, %reduce_max3A_123 [1] : vector<400x4000xf32> to vector<400xf32>
    %broadcast_in_dim3A_125 = vector.shape_cast %reduce_max3A_124 : vector<400xf32> to vector<400x1xf32>
    %eq3A_126 = vector.broadcast %broadcast_in_dim3A_125 : vector<400x1xf32> to vector<400x4000xf32>
    %eq3A_127 = arith.cmpf oeq, %select_n3A_122, %eq3A_126 : vector<400x4000xf32>
    %jit3A_128 = arith.constant 0xFF800000 : f32
    %broadcast_in_dim3A_129 = vector.broadcast %jit3A_128 : f32 to vector<400x4000xf32>
    %select_n3A_130 = arith.select %eq3A_127, %broadcast_in_dim3A_129, %select_n3A_114 : vector<400x4000xi1>, vector<400x4000xf32>
    %reduce_max3A_131 = arith.constant dense<0xFF800000> : vector<400xf32>
    %reduce_max3A_132 = vector.multi_reduction <maximumf>, %select_n3A_130, %reduce_max3A_131 [1] : vector<400x4000xf32> to vector<400xf32>
    %broadcast_in_dim3A_133 = vector.shape_cast %reduce_max3A_132 : vector<400xf32> to vector<400x1xf32>
    %eq3A_134 = vector.broadcast %broadcast_in_dim3A_133 : vector<400x1xf32> to vector<400x4000xf32>
    %eq3A_135 = arith.cmpf oeq, %select_n3A_130, %eq3A_134 : vector<400x4000xf32>
    %jit3A_136 = arith.constant 0.000000e+00 : f32
    %broadcast_in_dim3A_137 = vector.broadcast %jit3A_136 : f32 to vector<400x4000xf32>
    %select_n3A_138 = arith.select %eq3A_135, %convert_element_type3A, %broadcast_in_dim3A_137 : vector<400x4000xi1>, vector<400x4000xf32>
    %reduce_max3A_139 = arith.constant dense<0xFF800000> : vector<400xf32>
    %reduce_max3A_140 = vector.multi_reduction <maximumf>, %select_n3A_138, %reduce_max3A_139 [1] : vector<400x4000xf32> to vector<400xf32>
    %broadcast_in_dim3A_141 = vector.shape_cast %reduce_max3A_140 : vector<400xf32> to vector<400x1xf32>
    %eq3A_142 = vector.broadcast %broadcast_in_dim3A_141 : vector<400x1xf32> to vector<400x4000xf32>
    %eq3A_143 = arith.cmpf oeq, %select_n3A_138, %eq3A_142 : vector<400x4000xf32>
    %jit3A_144 = arith.constant 0xFF800000 : f32
    %broadcast_in_dim3A_145 = vector.broadcast %jit3A_144 : f32 to vector<400x4000xf32>
    %select_n3A_146 = arith.select %eq3A_143, %broadcast_in_dim3A_145, %select_n3A_130 : vector<400x4000xi1>, vector<400x4000xf32>
    %reduce_max3A_147 = arith.constant dense<0xFF800000> : vector<400xf32>
    %reduce_max3A_148 = vector.multi_reduction <maximumf>, %select_n3A_146, %reduce_max3A_147 [1] : vector<400x4000xf32> to vector<400xf32>
    %broadcast_in_dim3A_149 = vector.shape_cast %reduce_max3A_148 : vector<400xf32> to vector<400x1xf32>
    %eq3A_150 = vector.broadcast %broadcast_in_dim3A_149 : vector<400x1xf32> to vector<400x4000xf32>
    %eq3A_151 = arith.cmpf oeq, %select_n3A_146, %eq3A_150 : vector<400x4000xf32>
    %jit3A_152 = arith.constant 0.000000e+00 : f32
    %broadcast_in_dim3A_153 = vector.broadcast %jit3A_152 : f32 to vector<400x4000xf32>
    %select_n3A_154 = arith.select %eq3A_151, %convert_element_type3A, %broadcast_in_dim3A_153 : vector<400x4000xi1>, vector<400x4000xf32>
    %reduce_max3A_155 = arith.constant dense<0xFF800000> : vector<400xf32>
    %reduce_max3A_156 = vector.multi_reduction <maximumf>, %select_n3A_154, %reduce_max3A_155 [1] : vector<400x4000xf32> to vector<400xf32>
    %broadcast_in_dim3A_157 = vector.shape_cast %reduce_max3A_156 : vector<400xf32> to vector<400x1xf32>
    %eq3A_158 = vector.broadcast %broadcast_in_dim3A_157 : vector<400x1xf32> to vector<400x4000xf32>
    %eq3A_159 = arith.cmpf oeq, %select_n3A_154, %eq3A_158 : vector<400x4000xf32>
    %jit3A_160 = arith.constant 0xFF800000 : f32
    %broadcast_in_dim3A_161 = vector.broadcast %jit3A_160 : f32 to vector<400x4000xf32>
    %select_n3A_162 = arith.select %eq3A_159, %broadcast_in_dim3A_161, %select_n3A_146 : vector<400x4000xi1>, vector<400x4000xf32>
    %reduce_max3A_163 = arith.constant dense<0xFF800000> : vector<400xf32>
    %reduce_max3A_164 = vector.multi_reduction <maximumf>, %select_n3A_162, %reduce_max3A_163 [1] : vector<400x4000xf32> to vector<400xf32>
    %broadcast_in_dim3A_165 = vector.shape_cast %reduce_max3A_164 : vector<400xf32> to vector<400x1xf32>
    %eq3A_166 = vector.broadcast %broadcast_in_dim3A_165 : vector<400x1xf32> to vector<400x4000xf32>
    %eq3A_167 = arith.cmpf oeq, %select_n3A_162, %eq3A_166 : vector<400x4000xf32>
    %jit3A_168 = arith.constant 0.000000e+00 : f32
    %broadcast_in_dim3A_169 = vector.broadcast %jit3A_168 : f32 to vector<400x4000xf32>
    %select_n3A_170 = arith.select %eq3A_167, %convert_element_type3A, %broadcast_in_dim3A_169 : vector<400x4000xi1>, vector<400x4000xf32>
    %reduce_max3A_171 = arith.constant dense<0xFF800000> : vector<400xf32>
    %reduce_max3A_172 = vector.multi_reduction <maximumf>, %select_n3A_170, %reduce_max3A_171 [1] : vector<400x4000xf32> to vector<400xf32>
    %broadcast_in_dim3A_173 = vector.shape_cast %reduce_max3A_172 : vector<400xf32> to vector<400x1xf32>
    %eq3A_174 = vector.broadcast %broadcast_in_dim3A_173 : vector<400x1xf32> to vector<400x4000xf32>
    %eq3A_175 = arith.cmpf oeq, %select_n3A_170, %eq3A_174 : vector<400x4000xf32>
    %jit3A_176 = arith.constant 0xFF800000 : f32
    %broadcast_in_dim3A_177 = vector.broadcast %jit3A_176 : f32 to vector<400x4000xf32>
    %select_n3A_178 = arith.select %eq3A_175, %broadcast_in_dim3A_177, %select_n3A_162 : vector<400x4000xi1>, vector<400x4000xf32>
    %reduce_max3A_179 = arith.constant dense<0xFF800000> : vector<400xf32>
    %reduce_max3A_180 = vector.multi_reduction <maximumf>, %select_n3A_178, %reduce_max3A_179 [1] : vector<400x4000xf32> to vector<400xf32>
    %broadcast_in_dim3A_181 = vector.shape_cast %reduce_max3A_180 : vector<400xf32> to vector<400x1xf32>
    %eq3A_182 = vector.broadcast %broadcast_in_dim3A_181 : vector<400x1xf32> to vector<400x4000xf32>
    %eq3A_183 = arith.cmpf oeq, %select_n3A_178, %eq3A_182 : vector<400x4000xf32>
    %jit3A_184 = arith.constant 0.000000e+00 : f32
    %broadcast_in_dim3A_185 = vector.broadcast %jit3A_184 : f32 to vector<400x4000xf32>
    %select_n3A_186 = arith.select %eq3A_183, %convert_element_type3A, %broadcast_in_dim3A_185 : vector<400x4000xi1>, vector<400x4000xf32>
    %reduce_max3A_187 = arith.constant dense<0xFF800000> : vector<400xf32>
    %reduce_max3A_188 = vector.multi_reduction <maximumf>, %select_n3A_186, %reduce_max3A_187 [1] : vector<400x4000xf32> to vector<400xf32>
    %broadcast_in_dim3A_189 = vector.shape_cast %reduce_max3A_188 : vector<400xf32> to vector<400x1xf32>
    %eq3A_190 = vector.broadcast %broadcast_in_dim3A_189 : vector<400x1xf32> to vector<400x4000xf32>
    %eq3A_191 = arith.cmpf oeq, %select_n3A_186, %eq3A_190 : vector<400x4000xf32>
    %jit3A_192 = arith.constant 0xFF800000 : f32
    %broadcast_in_dim3A_193 = vector.broadcast %jit3A_192 : f32 to vector<400x4000xf32>
    %select_n3A_194 = arith.select %eq3A_191, %broadcast_in_dim3A_193, %select_n3A_178 : vector<400x4000xi1>, vector<400x4000xf32>
    %reduce_max3A_195 = arith.constant dense<0xFF800000> : vector<400xf32>
    %reduce_max3A_196 = vector.multi_reduction <maximumf>, %select_n3A_194, %reduce_max3A_195 [1] : vector<400x4000xf32> to vector<400xf32>
    %broadcast_in_dim3A_197 = vector.shape_cast %reduce_max3A_196 : vector<400xf32> to vector<400x1xf32>
    %eq3A_198 = vector.broadcast %broadcast_in_dim3A_197 : vector<400x1xf32> to vector<400x4000xf32>
    %eq3A_199 = arith.cmpf oeq, %select_n3A_194, %eq3A_198 : vector<400x4000xf32>
    %jit3A_200 = arith.constant 0.000000e+00 : f32
    %broadcast_in_dim3A_201 = vector.broadcast %jit3A_200 : f32 to vector<400x4000xf32>
    %select_n3A_202 = arith.select %eq3A_199, %convert_element_type3A, %broadcast_in_dim3A_201 : vector<400x4000xi1>, vector<400x4000xf32>
    %reduce_max3A_203 = arith.constant dense<0xFF800000> : vector<400xf32>
    %reduce_max3A_204 = vector.multi_reduction <maximumf>, %select_n3A_202, %reduce_max3A_203 [1] : vector<400x4000xf32> to vector<400xf32>
    %broadcast_in_dim3A_205 = vector.shape_cast %reduce_max3A_204 : vector<400xf32> to vector<400x1xf32>
    %eq3A_206 = vector.broadcast %broadcast_in_dim3A_205 : vector<400x1xf32> to vector<400x4000xf32>
    %eq3A_207 = arith.cmpf oeq, %select_n3A_202, %eq3A_206 : vector<400x4000xf32>
    %jit3A_208 = arith.constant 0xFF800000 : f32
    %broadcast_in_dim3A_209 = vector.broadcast %jit3A_208 : f32 to vector<400x4000xf32>
    %select_n3A_210 = arith.select %eq3A_207, %broadcast_in_dim3A_209, %select_n3A_194 : vector<400x4000xi1>, vector<400x4000xf32>
    %reduce_max3A_211 = arith.constant dense<0xFF800000> : vector<400xf32>
    %reduce_max3A_212 = vector.multi_reduction <maximumf>, %select_n3A_210, %reduce_max3A_211 [1] : vector<400x4000xf32> to vector<400xf32>
    %broadcast_in_dim3A_213 = vector.shape_cast %reduce_max3A_212 : vector<400xf32> to vector<400x1xf32>
    %eq3A_214 = vector.broadcast %broadcast_in_dim3A_213 : vector<400x1xf32> to vector<400x4000xf32>
    %eq3A_215 = arith.cmpf oeq, %select_n3A_210, %eq3A_214 : vector<400x4000xf32>
    %jit3A_216 = arith.constant 0.000000e+00 : f32
    %broadcast_in_dim3A_217 = vector.broadcast %jit3A_216 : f32 to vector<400x4000xf32>
    %select_n3A_218 = arith.select %eq3A_215, %convert_element_type3A, %broadcast_in_dim3A_217 : vector<400x4000xi1>, vector<400x4000xf32>
    %reduce_max3A_219 = arith.constant dense<0xFF800000> : vector<400xf32>
    %reduce_max3A_220 = vector.multi_reduction <maximumf>, %select_n3A_218, %reduce_max3A_219 [1] : vector<400x4000xf32> to vector<400xf32>
    %broadcast_in_dim3A_221 = vector.shape_cast %reduce_max3A_220 : vector<400xf32> to vector<400x1xf32>
    %eq3A_222 = vector.broadcast %broadcast_in_dim3A_221 : vector<400x1xf32> to vector<400x4000xf32>
    %eq3A_223 = arith.cmpf oeq, %select_n3A_218, %eq3A_222 : vector<400x4000xf32>
    %jit3A_224 = arith.constant 0xFF800000 : f32
    %broadcast_in_dim3A_225 = vector.broadcast %jit3A_224 : f32 to vector<400x4000xf32>
    %select_n3A_226 = arith.select %eq3A_223, %broadcast_in_dim3A_225, %select_n3A_210 : vector<400x4000xi1>, vector<400x4000xf32>
    %reduce_max3A_227 = arith.constant dense<0xFF800000> : vector<400xf32>
    %reduce_max3A_228 = vector.multi_reduction <maximumf>, %select_n3A_226, %reduce_max3A_227 [1] : vector<400x4000xf32> to vector<400xf32>
    %broadcast_in_dim3A_229 = vector.shape_cast %reduce_max3A_228 : vector<400xf32> to vector<400x1xf32>
    %eq3A_230 = vector.broadcast %broadcast_in_dim3A_229 : vector<400x1xf32> to vector<400x4000xf32>
    %eq3A_231 = arith.cmpf oeq, %select_n3A_226, %eq3A_230 : vector<400x4000xf32>
    %jit3A_232 = arith.constant 0.000000e+00 : f32
    %broadcast_in_dim3A_233 = vector.broadcast %jit3A_232 : f32 to vector<400x4000xf32>
    %select_n3A_234 = arith.select %eq3A_231, %convert_element_type3A, %broadcast_in_dim3A_233 : vector<400x4000xi1>, vector<400x4000xf32>
    %reduce_max3A_235 = arith.constant dense<0xFF800000> : vector<400xf32>
    %reduce_max3A_236 = vector.multi_reduction <maximumf>, %select_n3A_234, %reduce_max3A_235 [1] : vector<400x4000xf32> to vector<400xf32>
    %broadcast_in_dim3A_237 = vector.shape_cast %reduce_max3A_236 : vector<400xf32> to vector<400x1xf32>
    %eq3A_238 = vector.broadcast %broadcast_in_dim3A_237 : vector<400x1xf32> to vector<400x4000xf32>
    %eq3A_239 = arith.cmpf oeq, %select_n3A_234, %eq3A_238 : vector<400x4000xf32>
    %jit3A_240 = arith.constant 0xFF800000 : f32
    %broadcast_in_dim3A_241 = vector.broadcast %jit3A_240 : f32 to vector<400x4000xf32>
    %select_n3A_242 = arith.select %eq3A_239, %broadcast_in_dim3A_241, %select_n3A_226 : vector<400x4000xi1>, vector<400x4000xf32>
    %reduce_max3A_243 = arith.constant dense<0xFF800000> : vector<400xf32>
    %reduce_max3A_244 = vector.multi_reduction <maximumf>, %select_n3A_242, %reduce_max3A_243 [1] : vector<400x4000xf32> to vector<400xf32>
    %broadcast_in_dim3A_245 = vector.shape_cast %reduce_max3A_244 : vector<400xf32> to vector<400x1xf32>
    %eq3A_246 = vector.broadcast %broadcast_in_dim3A_245 : vector<400x1xf32> to vector<400x4000xf32>
    %eq3A_247 = arith.cmpf oeq, %select_n3A_242, %eq3A_246 : vector<400x4000xf32>
    %jit3A_248 = arith.constant 0.000000e+00 : f32
    %broadcast_in_dim3A_249 = vector.broadcast %jit3A_248 : f32 to vector<400x4000xf32>
    %select_n3A_250 = arith.select %eq3A_247, %convert_element_type3A, %broadcast_in_dim3A_249 : vector<400x4000xi1>, vector<400x4000xf32>
    %reduce_max3A_251 = arith.constant dense<0xFF800000> : vector<400xf32>
    %reduce_max3A_252 = vector.multi_reduction <maximumf>, %select_n3A_250, %reduce_max3A_251 [1] : vector<400x4000xf32> to vector<400xf32>
    %broadcast_in_dim3A_253 = vector.shape_cast %reduce_max3A_252 : vector<400xf32> to vector<400x1xf32>
    %eq3A_254 = vector.broadcast %broadcast_in_dim3A_253 : vector<400x1xf32> to vector<400x4000xf32>
    %eq3A_255 = arith.cmpf oeq, %select_n3A_250, %eq3A_254 : vector<400x4000xf32>
    %jit3A_256 = arith.constant 0xFF800000 : f32
    %broadcast_in_dim3A_257 = vector.broadcast %jit3A_256 : f32 to vector<400x4000xf32>
    %select_n3A_258 = arith.select %eq3A_255, %broadcast_in_dim3A_257, %select_n3A_242 : vector<400x4000xi1>, vector<400x4000xf32>
    %reduce_max3A_259 = arith.constant dense<0xFF800000> : vector<400xf32>
    %reduce_max3A_260 = vector.multi_reduction <maximumf>, %select_n3A_258, %reduce_max3A_259 [1] : vector<400x4000xf32> to vector<400xf32>
    %broadcast_in_dim3A_261 = vector.shape_cast %reduce_max3A_260 : vector<400xf32> to vector<400x1xf32>
    %eq3A_262 = vector.broadcast %broadcast_in_dim3A_261 : vector<400x1xf32> to vector<400x4000xf32>
    %eq3A_263 = arith.cmpf oeq, %select_n3A_258, %eq3A_262 : vector<400x4000xf32>
    %jit3A_264 = arith.constant 0.000000e+00 : f32
    %broadcast_in_dim3A_265 = vector.broadcast %jit3A_264 : f32 to vector<400x4000xf32>
    %select_n3A_266 = arith.select %eq3A_263, %convert_element_type3A, %broadcast_in_dim3A_265 : vector<400x4000xi1>, vector<400x4000xf32>
    %reduce_max3A_267 = arith.constant dense<0xFF800000> : vector<400xf32>
    %reduce_max3A_268 = vector.multi_reduction <maximumf>, %select_n3A_266, %reduce_max3A_267 [1] : vector<400x4000xf32> to vector<400xf32>
    %broadcast_in_dim3A_269 = vector.shape_cast %reduce_max3A_268 : vector<400xf32> to vector<400x1xf32>
    %eq3A_270 = vector.broadcast %broadcast_in_dim3A_269 : vector<400x1xf32> to vector<400x4000xf32>
    %eq3A_271 = arith.cmpf oeq, %select_n3A_266, %eq3A_270 : vector<400x4000xf32>
    %jit3A_272 = arith.constant 0xFF800000 : f32
    %broadcast_in_dim3A_273 = vector.broadcast %jit3A_272 : f32 to vector<400x4000xf32>
    %select_n3A_274 = arith.select %eq3A_271, %broadcast_in_dim3A_273, %select_n3A_258 : vector<400x4000xi1>, vector<400x4000xf32>
    %reduce_max3A_275 = arith.constant dense<0xFF800000> : vector<400xf32>
    %reduce_max3A_276 = vector.multi_reduction <maximumf>, %select_n3A_274, %reduce_max3A_275 [1] : vector<400x4000xf32> to vector<400xf32>
    %broadcast_in_dim3A_277 = vector.shape_cast %reduce_max3A_276 : vector<400xf32> to vector<400x1xf32>
    %eq3A_278 = vector.broadcast %broadcast_in_dim3A_277 : vector<400x1xf32> to vector<400x4000xf32>
    %eq3A_279 = arith.cmpf oeq, %select_n3A_274, %eq3A_278 : vector<400x4000xf32>
    %jit3A_280 = arith.constant 0.000000e+00 : f32
    %broadcast_in_dim3A_281 = vector.broadcast %jit3A_280 : f32 to vector<400x4000xf32>
    %select_n3A_282 = arith.select %eq3A_279, %convert_element_type3A, %broadcast_in_dim3A_281 : vector<400x4000xi1>, vector<400x4000xf32>
    %reduce_max3A_283 = arith.constant dense<0xFF800000> : vector<400xf32>
    %reduce_max3A_284 = vector.multi_reduction <maximumf>, %select_n3A_282, %reduce_max3A_283 [1] : vector<400x4000xf32> to vector<400xf32>
    %broadcast_in_dim3A_285 = vector.shape_cast %reduce_max3A_284 : vector<400xf32> to vector<400x1xf32>
    %eq3A_286 = vector.broadcast %broadcast_in_dim3A_285 : vector<400x1xf32> to vector<400x4000xf32>
    %eq3A_287 = arith.cmpf oeq, %select_n3A_282, %eq3A_286 : vector<400x4000xf32>
    %jit3A_288 = arith.constant 0xFF800000 : f32
    %broadcast_in_dim3A_289 = vector.broadcast %jit3A_288 : f32 to vector<400x4000xf32>
    %select_n3A_290 = arith.select %eq3A_287, %broadcast_in_dim3A_289, %select_n3A_274 : vector<400x4000xi1>, vector<400x4000xf32>
    %reduce_max3A_291 = arith.constant dense<0xFF800000> : vector<400xf32>
    %reduce_max3A_292 = vector.multi_reduction <maximumf>, %select_n3A_290, %reduce_max3A_291 [1] : vector<400x4000xf32> to vector<400xf32>
    %broadcast_in_dim3A_293 = vector.shape_cast %reduce_max3A_292 : vector<400xf32> to vector<400x1xf32>
    %eq3A_294 = vector.broadcast %broadcast_in_dim3A_293 : vector<400x1xf32> to vector<400x4000xf32>
    %eq3A_295 = arith.cmpf oeq, %select_n3A_290, %eq3A_294 : vector<400x4000xf32>
    %jit3A_296 = arith.constant 0.000000e+00 : f32
    %broadcast_in_dim3A_297 = vector.broadcast %jit3A_296 : f32 to vector<400x4000xf32>
    %select_n3A_298 = arith.select %eq3A_295, %convert_element_type3A, %broadcast_in_dim3A_297 : vector<400x4000xi1>, vector<400x4000xf32>
    %reduce_max3A_299 = arith.constant dense<0xFF800000> : vector<400xf32>
    %reduce_max3A_300 = vector.multi_reduction <maximumf>, %select_n3A_298, %reduce_max3A_299 [1] : vector<400x4000xf32> to vector<400xf32>
    %broadcast_in_dim3A_301 = vector.shape_cast %reduce_max3A_300 : vector<400xf32> to vector<400x1xf32>
    %eq3A_302 = vector.broadcast %broadcast_in_dim3A_301 : vector<400x1xf32> to vector<400x4000xf32>
    %eq3A_303 = arith.cmpf oeq, %select_n3A_298, %eq3A_302 : vector<400x4000xf32>
    %jit3A_304 = arith.constant 0xFF800000 : f32
    %broadcast_in_dim3A_305 = vector.broadcast %jit3A_304 : f32 to vector<400x4000xf32>
    %select_n3A_306 = arith.select %eq3A_303, %broadcast_in_dim3A_305, %select_n3A_290 : vector<400x4000xi1>, vector<400x4000xf32>
    %reduce_max3A_307 = arith.constant dense<0xFF800000> : vector<400xf32>
    %reduce_max3A_308 = vector.multi_reduction <maximumf>, %select_n3A_306, %reduce_max3A_307 [1] : vector<400x4000xf32> to vector<400xf32>
    %broadcast_in_dim3A_309 = vector.shape_cast %reduce_max3A_308 : vector<400xf32> to vector<400x1xf32>
    %eq3A_310 = vector.broadcast %broadcast_in_dim3A_309 : vector<400x1xf32> to vector<400x4000xf32>
    %eq3A_311 = arith.cmpf oeq, %select_n3A_306, %eq3A_310 : vector<400x4000xf32>
    %jit3A_312 = arith.constant 0.000000e+00 : f32
    %broadcast_in_dim3A_313 = vector.broadcast %jit3A_312 : f32 to vector<400x4000xf32>
    %select_n3A_314 = arith.select %eq3A_311, %convert_element_type3A, %broadcast_in_dim3A_313 : vector<400x4000xi1>, vector<400x4000xf32>
    %reduce_max3A_315 = arith.constant dense<0xFF800000> : vector<400xf32>
    %reduce_max3A_316 = vector.multi_reduction <maximumf>, %select_n3A_314, %reduce_max3A_315 [1] : vector<400x4000xf32> to vector<400xf32>
    %broadcast_in_dim3A_317 = vector.shape_cast %reduce_max3A_316 : vector<400xf32> to vector<400x1xf32>
    %concatenate3A = tpu.concatenate %broadcast_in_dim3A, %broadcast_in_dim3A_21, %broadcast_in_dim3A_37, %broadcast_in_dim3A_53, %broadcast_in_dim3A_69, %broadcast_in_dim3A_85, %broadcast_in_dim3A_101, %broadcast_in_dim3A_117, %broadcast_in_dim3A_133, %broadcast_in_dim3A_149, %broadcast_in_dim3A_165, %broadcast_in_dim3A_181, %broadcast_in_dim3A_197, %broadcast_in_dim3A_213, %broadcast_in_dim3A_229, %broadcast_in_dim3A_245, %broadcast_in_dim3A_261, %broadcast_in_dim3A_277, %broadcast_in_dim3A_293, %broadcast_in_dim3A_309 in 1 : vector<400x1xf32>, vector<400x1xf32>, vector<400x1xf32>, vector<400x1xf32>, vector<400x1xf32>, vector<400x1xf32>, vector<400x1xf32>, vector<400x1xf32>, vector<400x1xf32>, vector<400x1xf32>, vector<400x1xf32>, vector<400x1xf32>, vector<400x1xf32>, vector<400x1xf32>, vector<400x1xf32>, vector<400x1xf32>, vector<400x1xf32>, vector<400x1xf32>, vector<400x1xf32>, vector<400x1xf32> -> vector<400x20xf32>
    %concatenate3A_318 = tpu.concatenate %broadcast_in_dim3A_13, %broadcast_in_dim3A_29, %broadcast_in_dim3A_45, %broadcast_in_dim3A_61, %broadcast_in_dim3A_77, %broadcast_in_dim3A_93, %broadcast_in_dim3A_109, %broadcast_in_dim3A_125, %broadcast_in_dim3A_141, %broadcast_in_dim3A_157, %broadcast_in_dim3A_173, %broadcast_in_dim3A_189, %broadcast_in_dim3A_205, %broadcast_in_dim3A_221, %broadcast_in_dim3A_237, %broadcast_in_dim3A_253, %broadcast_in_dim3A_269, %broadcast_in_dim3A_285, %broadcast_in_dim3A_301, %broadcast_in_dim3A_317 in 1 : vector<400x1xf32>, vector<400x1xf32>, vector<400x1xf32>, vector<400x1xf32>, vector<400x1xf32>, vector<400x1xf32>, vector<400x1xf32>, vector<400x1xf32>, vector<400x1xf32>, vector<400x1xf32>, vector<400x1xf32>, vector<400x1xf32>, vector<400x1xf32>, vector<400x1xf32>, vector<400x1xf32>, vector<400x1xf32>, vector<400x1xf32>, vector<400x1xf32>, vector<400x1xf32>, vector<400x1xf32> -> vector<400x20xf32>
    %convert_element_type3A_319 = arith.fptosi %concatenate3A_318 : vector<400x20xf32> to vector<400x20xi32>
    %sub3A_320 = arith.constant 4000 : i32
    %sub3A_321 = vector.broadcast %sub3A_320 : i32 to vector<400x20xi32>
    %sub3A_322 = arith.subi %sub3A_321, %convert_element_type3A_319 : vector<400x20xi32>
    %get3A_323 = arith.constant 0 : index
    %get3A_324 = arith.constant 0 : index
    %get3A_325 = vector.load %arg1[%get3A_323, %get3A_324] : memref<1x1xf32, #tpu.memory_space<vmem>>, vector<1x1xf32>
    %get3A_326 = vector.extract %get3A_325[0, 0] : f32 from vector<1x1xf32>
    %add3A = arith.constant 6000 : i32
    %add3A_327 = vector.broadcast %add3A : i32 to vector<400x20xi32>
    %add3A_328 = arith.addi %sub3A_322, %add3A_327 : vector<400x20xi32>
    %swap3A = arith.constant 0 : index
    %swap3A_329 = arith.constant 0 : index
    %swap3A_330 = vector.load %arg4[%swap3A, %swap3A_329] : memref<400x20xi32, #tpu.memory_space<vmem>>, vector<400x20xi32>
    tpu.vector_store %arg4[%swap3A, %swap3A_329], %add3A_328 {strides = array<i32>} : memref<400x20xi32, #tpu.memory_space<vmem>>, vector<400x20xi32>,
    %ge3A = vector.broadcast %get3A_326 : f32 to vector<400x20xf32>
    %ge3A_331 = arith.cmpf oge, %concatenate3A, %ge3A : vector<400x20xf32>
    %broadcast_in_dim3A_332 = arith.constant 0.000000e+00 : f32
    %broadcast_in_dim3A_333 = vector.broadcast %broadcast_in_dim3A_332 : f32 to vector<400x20xf32>
    %select_n3A_334 = arith.select %ge3A_331, %concatenate3A, %broadcast_in_dim3A_333 : vector<400x20xi1>, vector<400x20xf32>
    %swap3A_335 = arith.constant 0 : index
    %swap3A_336 = arith.constant 0 : index
    %swap3A_337 = vector.load %arg5[%swap3A_335, %swap3A_336] : memref<400x20xf32, #tpu.memory_space<vmem>>, vector<400x20xf32>
    tpu.vector_store %arg5[%swap3A_335, %swap3A_336], %select_n3A_334 {strides = array<i32>} : memref<400x20xf32, #tpu.memory_space<vmem>>, vector<400x20xf32>,
    %iota3A_338 = tpu.iota {dimensions = array<i32: 0>} : vector<400x20xi32>
    %mul3A = arith.constant 400 : i32
    %mul3A_339 = arith.muli %arg0, %mul3A : i32
    %add3A_340 = arith.constant 6000 : i32
    %add3A_341 = arith.addi %add3A_340, %mul3A_339 : i32
    %add3A_342 = vector.broadcast %add3A_341 : i32 to vector<400x20xi32>
    %add3A_343 = arith.addi %iota3A_338, %add3A_342 : vector<400x20xi32>
    %swap3A_344 = arith.constant 0 : index
    %swap3A_345 = arith.constant 0 : index
    %swap3A_346 = vector.load %arg6[%swap3A_344, %swap3A_345] : memref<400x20xi32, #tpu.memory_space<vmem>>, vector<400x20xi32>
    tpu.vector_store %arg6[%swap3A_344, %swap3A_345], %add3A_343 {strides = array<i32>} : memref<400x20xi32, #tpu.memory_space<vmem>>, vector<400x20xi32>,
    return
  }
  func.func @transform_0(%arg0: i32) -> (i32, i32) {
    %c0_i32 = arith.constant 0 : i32
    %c0_i32_0 = arith.constant 0 : i32
    %c0_i32_1 = arith.constant 0 : i32
    return %c0_i32, %c0_i32_0 : i32, i32
  }
  func.func @transform_1(%arg0: i32) -> (i32, i32) {
    %c0_i32 = arith.constant 0 : i32
    %c0_i32_0 = arith.constant 0 : i32
    return %arg0, %c0_i32 : i32, i32
  }
  func.func @transform_2(%arg0: i32) -> (i32, i32) {
    %c0_i32 = arith.constant 0 : i32
    %c0_i32_0 = arith.constant 0 : i32
    %c0_i32_1 = arith.constant 0 : i32
    return %c0_i32, %c0_i32_0 : i32, i32
  }
  func.func @transform_3(%arg0: i32) -> (i32, i32) {
    %c0_i32 = arith.constant 0 : i32
    %c0_i32_0 = arith.constant 0 : i32
    return %arg0, %c0_i32 : i32, i32
  }
  func.func @transform_4(%arg0: i32) -> (i32, i32) {
    %c0_i32 = arith.constant 0 : i32
    %c0_i32_0 = arith.constant 0 : i32
    return %arg0, %c0_i32 : i32, i32
  }
  func.func @transform_5(%arg0: i32) -> (i32, i32) {
    %c0_i32 = arith.constant 0 : i32
    %c0_i32_0 = arith.constant 0 : i32
    return %arg0, %c0_i32 : i32, i32
  }
}

</mosaic_0001>

<sc_bundles>
// kernel: kernel.5.cloned.1.call-start
scs
__scs_entry_jumppad:
0x0: {  	(pc) =	sbr.rel $0x88, $3  }
0x1: {  	(tag) =	ssettag $0x0;
	lr =	simm.s32 $0x1  }
0x2: {  	[smem:$0x3F9B] =	sst lr;
	_ =	strace $0xD0000000  }
0x3: {  	_ = 	snop  }
0x4: {  	_ = 	snop  }
0x5: {  	_ = 	snop  }
0x6: {  	_ = 	snop  }
0x7: {  	_ = 	snop  }
__scs_overlays_trampoline_lowered:
0x8: {  	[smem:$0x3FAA] =	sst s0  }
0x9: {  	[smem:$0x3FAB] =	sst s1  }
0xa: {  	[smem:$0x3FAC] =	sst s2  }
0xb: {  	[smem:$0x3FAD] =	sst s3  }
0xc: {  	[smem:$0x3FAE] =	sst s4  }
0xd: {  	[smem:$0x3FAF] =	sst s5  }
0xe: {  	[smem:$0x3FB0] =	sst s6  }
0xf: {  	[smem:$0x3FB1] =	sst s7  }
0x10: {  	[smem:$0x3FB2] =	sst s8  }
0x11: {  	[smem:$0x3FB3] =	sst s9;
	s0 =	simm.s32 @!p0 $0x0  }
0x12: {  	s1 =	sld [smem:$0x3F99];
	s0 =	simm.s32 @p0 $0x1  }
0x13: {  	[smem:$0x3FB4] =	sst s0;
	s0 =	simm.s32 @!p1 $0x0  }
0x14: {  	s2 =	sld [smem:$0x3F98];
	s0 =	simm.s32 @p1 $0x1  }
0x15: {  	[smem:$0x3FB5] =	sst s0;
	s0 =	simm.s32 @!p2 $0x0  }
0x16: {  	s3 =	sld [smem:$0x3FDB];
	s0 =	simm.s32 @p2 $0x1  }
0x17: {  	s4 =	simm.s32 $0x1BF5;
	[smem:$0x3FB7] =	sst s0  }
0x18: {  	s0 =	sld [smem:$0x3F9A];
	_ =	swait.ge [sflag:s4], $0x0  }
0x19: {  	s7 =	sld [smem:$0x3F9B]  }
0x1a: {  	s8 =	sadd.s32 $0xFFFFE003, lr  }
0x1b: {  	s9 =	sadd.s32 $0xFFFFFEF7, lr;
	s5 =	simm.s32 $0xFFFFFFFF;
	p2 =	slt.u32 s8, $0xFFFFF086  }
0x1c: {  	p1 =	slt.u32 s9, $0xF7A;
	s5 =	simm.s32 @!p2 $0x0  }
0x1d: {  	s5 =	simm.s32 @p1 $0x1;
	p0 =	seq.s32 s7, s2  }
0x1e: {  	s7 =	smul.u32 @!p0 $0xF7A, s2;
	p2 =	seq.s32 @!p0 s5, $0x0  }
0x1f: {  	s9 =	smul.u32 $0xF7A, s1;
	s8 =	simm.s32 @!p0 $0x1BF5;
	p2 =	por !p2, p0  }
0x20: {  	[sflag:s8] =	ssyncset.s32 @!p0 $0xFFFFF086;
	s6 =	sadd.s32 @!p0 s3, s7;
	s7 =	simm.s32 @!p0 $0x108  }
0x21: {  	s3 =	sadd.s32 s3, s9;
	s6 =	sadd.s32 @!p0 $0x88, s6;
	s7 =	simm.s32 @p2 $0x1082  }
0x22: {  	[simem:s7], [sflag:s8] =	dma.local @!p0 [hbm:s6], $0xF7A  }
0x23: {  	s9 =	sor.u32 $0xD0000000, s2;
	s6 =	simm.s32 $0x108;
	_ =	swait.ge @!p0 [sflag:s8], $0x0  }
0x24: {  	s3 =	sadd.s32 $0x88, s3;
	s6 =	simm.s32 @!p1 $0x1082;
	[sflag:s4] =	ssyncset.s32 $0xFFFFF086  }
0x25: {  	[simem:s6], [sflag:s4] =	dma.local [hbm:s3], $0xF7A  }
0x26: {  	[smem:$0x3F9B] =	sst s1;
	(tag) =	ssettag s2;
	_ =	strace s9  }
0x27: {  	s1 =	sld [smem:$0x3FAB]  }
0x28: {  	s2 =	sld [smem:$0x3FAC]  }
0x29: {  	s4 =	sld [smem:$0x3FAE]  }
0x2a: {  	p0 =	seq.s32 s5, $0x0;
	s5 =	sld [smem:$0x3FAF]  }
0x2b: {  	s6 =	sld [smem:$0x3FB0]  }
0x2c: {  	s7 =	sld [smem:$0x3FB1]  }
0x2d: {  	s3 =	simm.s32 $0x108;
	s8 =	sld [smem:$0x3FB2]  }
0x2e: {  	s3 =	simm.s32 @!p0 $0x1082;
	s9 =	sld [smem:$0x3FB3]  }
0x2f: {  	lr =	sadd.s32 s0, s3;
	s0 =	sld [smem:$0x3FAA]  }
0x30: {  	s3 =	sld [smem:$0x3FAD]  }
0x31: {  	[smem:$0x3FB6] =	sst s10  }
0x32: {  	s10 =	sld [smem:$0x3FB4];
	_ =	sdelay $0x3  }
0x33: {  	p0 =	seq.s32 s10, $0x1;
	s10 =	sld [smem:$0x3FB6];
	_ =	sdelay $0x3  }
0x34: {  	[smem:$0x3FB6] =	sst s10  }
0x35: {  	s10 =	sld [smem:$0x3FB5];
	_ =	sdelay $0x3  }
0x36: {  	p1 =	seq.s32 s10, $0x1;
	s10 =	sld [smem:$0x3FB6];
	_ =	sdelay $0x3  }
0x37: {  	[smem:$0x3FB6] =	sst s10  }
0x38: {  	s10 =	sld [smem:$0x3FB7]  }
0x39: {  	_ = 	snop;
	(pc) =	sbr.ind lr, $3  }
0x3a: {  	_ = 	snop  }
0x3b: {  	_ = 	snop  }
0x3c: {  	p2 =	seq.s32 s10, $0x1;
	s10 =	sld [smem:$0x3FB6]  }
0x3d: {  	_ =	shalt  }
0x3e: {  	_ =	shalt  }
0x3f: {  	_ =	shalt  }
0x40: {  	_ =	shalt  }
0x41: {  	_ =	shalt  }
0x42: {  	_ =	shalt  }
0x43: {  	_ =	shalt  }
0x44: {  	_ =	shalt  }
0x45: {  	_ =	shalt  }
0x46: {  	_ =	shalt  }
0x47: {  	_ =	shalt  }
0x48: {  	_ =	shalt  }
0x49: {  	_ =	shalt  }
0x4a: {  	_ =	shalt  }
0x4b: {  	_ =	shalt  }
0x4c: {  	_ =	shalt  }
0x4d: {  	_ =	shalt  }
0x4e: {  	_ =	shalt  }
0x4f: {  	_ =	shalt  }
0x50: {  	_ =	shalt  }
0x51: {  	_ =	shalt  }
0x52: {  	_ =	shalt  }
0x53: {  	_ =	shalt  }
0x54: {  	_ =	shalt  }
0x55: {  	_ =	shalt  }
0x56: {  	_ =	shalt  }
0x57: {  	_ =	shalt  }
0x58: {  	_ =	shalt  }
0x59: {  	_ =	shalt  }
0x5a: {  	_ =	shalt  }
0x5b: {  	_ =	shalt  }
0x5c: {  	_ =	shalt  }
0x5d: {  	_ =	shalt  }
0x5e: {  	_ =	shalt  }
0x5f: {  	_ =	shalt  }
0x60: {  	_ =	shalt  }
0x61: {  	_ =	shalt  }
0x62: {  	_ =	shalt  }
0x63: {  	_ =	shalt  }
0x64: {  	_ =	shalt  }
0x65: {  	_ =	shalt  }
0x66: {  	_ =	shalt  }
0x67: {  	_ =	shalt  }
0x68: {  	_ =	shalt  }
0x69: {  	_ =	shalt  }
0x6a: {  	_ =	shalt  }
0x6b: {  	_ =	shalt  }
0x6c: {  	_ =	shalt  }
0x6d: {  	_ =	shalt  }
0x6e: {  	_ =	shalt  }
0x6f: {  	_ =	shalt  }
0x70: {  	_ =	shalt  }
0x71: {  	_ =	shalt  }
0x72: {  	_ =	shalt  }
0x73: {  	_ =	shalt  }
0x74: {  	_ =	shalt  }
0x75: {  	_ =	shalt  }
0x76: {  	_ =	shalt  }
0x77: {  	_ =	shalt  }
0x78: {  	_ =	shalt  }
0x79: {  	_ =	shalt  }
0x7a: {  	_ =	shalt  }
0x7b: {  	_ =	shalt  }
0x7c: {  	_ =	shalt  }
0x7d: {  	_ =	shalt  }
0x7e: {  	_ =	shalt  }
0x7f: {  	_ =	shalt  }
0x80: {  	_ =	shalt  }
0x81: {  	_ =	shalt  }
0x82: {  	_ =	shalt  }
0x83: {  	_ =	shalt  }
0x84: {  	_ =	shalt  }
0x85: {  	_ =	shalt  }
0x86: {  	_ =	shalt  }
0x87: {  	_ =	shalt  }
.Lfunc_end0:
.L_simem_size_0:
called_computation_lowered:
.L_overlay_start_0:
0x88: {  	s2 =	sld [smem:$0x3FD9]  }
0x89: {  	s3 =	sld [smem:$0x3FFE];
	_ =	sdelay $0x1  }
0x8a: {  	s1 =	srdreg.scid  }
0x8b: {  	s0 =	sand.u32 $0x1, s1  }
0x8c: {  	s14 =	sshll.u32 s0, $0xA;
	s2 =	sadd.s32 s3, s2  }
0x8d: {  	s2 =	sadd.s32 s2, s14  }
0x8e: {  	[smem:$0x3FC2] =	sst s2  }
0x8f: {  	_ = 	snop  }
0x90: {  	s2 =	sld [smem:$0x3FD0];
	_ =	sdelay $0x1  }
0x91: {  	s15 =	sld [smem:$0x3FC6]  }
0x92: {  	s5 =	simm.s32 $0xA;
	s6 =	simm.s32 $0x10;
	s4 =	sld [smem:$0x3FC5]  }
0x93: {  	[smem:s6], [sflag:s5] =	dma.local [hbm:s2], $0x1  }
0x94: {  	_ =	swait.eq [sflag:s5], $0x1  }
0x95: {  	[sflag:s5] =	ssyncset.done $0x0  }
0x96: {  	s16 =	sld [smem:$0x10];
	[sflag:s5] =	ssyncadd.s32 $0xFFFFFFFF  }
0x97: {  	s17 =	sld [smem:$0x11];
	(tm) =	ssettm $0x1  }
0x98: {  	s18 =	sld [smem:$0x3FFB];
	_ =	sdelay $0x3  }
0x99: {  	_ =	strace s18  }
0x9a: {  	s6 =	sld [smem:$0x3FFC];
	_ =	sdelay $0x3  }
0x9b: {  	_ =	strace s6  }
0x9c: {  	s6 =	sld [smem:$0x3FFD];
	_ =	sdelay $0x3  }
0x9d: {  	_ =	strace s6  }
0x9e: {  	_ =	strace $0x8FFFFFFF  }
0x9f: {  	s19 =	sld [smem:$0x3FDB];
	_ =	sdelay $0x1  }
0xa0: {  	s7 =	simm.s32 $_scs_section_size  }
0xa1: {  	s8 =	simm.s32 $_size__tile_overlayer_lowered;
	s9 =	simm.s32 $_tile_overlayer_lowered  }
0xa2: {  	s22 =	simm.s32 $0x1BFF;
	s21 =	sshll.u32 s9, $0x1;
	s6 =	sadd.s32 s7, s19  }
0xa3: {  	s10 =	simm.s32 $0x0;
	s20 =	sshll.u32 s8, $0x1;
	s8 =	sadd.s32 s21, s6  }
0xa4: {  	[timem:s10], [sflag:s22] =	dma.local [hbm:s8], s20  }
0xa5: {  	_ =	swait.ge [sflag:s22], s20  }
0xa6: {  	s7 =	ssub.s32 $0x0, s20;
	[sflag:s22] =	ssyncset.done $0x0  }
0xa7: {  	[sflag:s22] =	ssyncadd.s32 s7;
	_ =	sdelay $0x1  }
0xa8: {  	s23 =	simm.s32 $0x1B8B  }
0xa9: {  	_ =	swait.ge [sflag:s23], $0x1  }
0xaa: {  	[sflag:s23] =	ssyncset.done $0x0  }
0xab: {  	s25 =	simm.s32 $0x1B8E;
	s24 =	sld [smem:$0x3FFE];
	[sflag:s23] =	ssyncadd.s32 $0xFFFFFFFF  }
0xac: {  	s26 =	simm.s32 $execute0_lowered;
	[smem:$0x3FD2] =	sst s25  }
0xad: {  	s8 =	sshll.u32 s26, $0x1;
	_ =	strace $0x80000046;
	[dreg:$0x1] =	wrdreg $0xFFFFFFFF  }
0xae: {  	s28 =	simm.s32 $_size_execute0_lowered;
	s6 =	sadd.s32 s6, s8;
	[dreg:$0x0] =	wrdreg $0x0  }
0xaf: {  	s8 =	sshll.u32 s28, $0x1;
	[dreg:$0x2] =	wrdreg s6  }
0xb0: {  	[dreg:$0x3] =	wrdreg s8  }
0xb1: {  	[dreg:$0x4] =	wrdreg $0xC0  }
0xb2: {  	_ =	task [dreg:s10], $0x5FFFF  }
0xb3: {  	[dreg:$0x1] =	wrdreg $0xFFFFFFFF  }
0xb4: {  	[dreg:$0x0] =	wrdreg $0x60  }
0xb5: {  	[dreg:$0x2] =	wrdreg s15  }
0xb6: {  	[dreg:$0x3] =	wrdreg s4  }
0xb7: {  	[dreg:$0x4] =	wrdreg s24  }
0xb8: {  	[dreg:$0x5] =	wrdreg s16  }
0xb9: {  	[dreg:$0x6] =	wrdreg s17  }
0xba: {  	[dreg:$0x7] =	wrdreg $0x9  }
0xbb: {  	_ =	task.clear_ibuf [dreg:s10], $0x8FFFF;
	_ =	strace $0x90000046  }
0xbc: {  	s29 =	simm.s32 $0x9;
	_ =	strace $0x80000048  }
0xbd: {  	_ =	swait.ge [sflag:s29], $0x1  }
0xbe: {  	[sflag:s29] =	ssyncadd.s32 $0xFFFFFFFF  }
0xbf: {  	_ =	strace $0x90000048  }
0xc0: {  	_ =	sfence  }
0xc1: {  	s30 =	sld [smem:$0x0];
	_ =	sdelay $0x2  }
0xc2: {  	s31 =	sshll.u32 s1, $0xD;
	s1 =	sshrl.u32 s1, $0x2  }
0xc3: {  	s3 =	sand.u32 $0x4000, s31;
	s1 =	sadd.s32 s1, s30  }
0xc4: {  	s0 =	sor.u32 s3, s0;
	s1 =	sshll.u32 s1, $0x11  }
0xc5: {  	s0 =	sor.u32 s1, s0  }
0xc6: {  	s0 =	sadd.s32 $0x8F2B, s0  }
0xc7: {  	[sflag:s0] =	ssyncadd.remote.s32 $0x1  }
0xc8: {  	_ =	sfence.sel $0xFFFF  }
0xc9: {  	[dreg:$0x0] =	wrdreg $0xFFFFFFFF;
	(pc) =	sbr.abs _section_cstart, $3  }
0xca: {  	[dreg:$0x1] =	wrdreg $0xFFFFFFFF  }
0xcb: {  	_ =	task.clear_ibuf [dreg:s10], $0x2FFFF;
	_ =	strace $0x9FFFFFFF  }
0xcc: {  	(tm) =	ssettm $0x7FFFFFFF  }
0xcd: {  	_ =	shalt  }
tec
execute0_lowered:
.L_overlay_start_1:
0x0: {  	(tag) =	ssettag $0x1  }
0x1: {  	s0 =	rddreg [dreg:$0x0]  }
0x2: {  	s1 =	rddreg [dreg:$0x1]  }
0x3: {  	s2 =	srdreg.scid;
	s13 =	rddreg [dreg:$0x2]  }
0x4: {  	s21 =	stileid.u32;
	s19 =	rddreg [dreg:$0x3]  }
0x5: {  	s17 =	rddreg [dreg:$0x4];
	s22 =	simm.s32 $0xC380;
	s23 =	simm.s32 $0x3  }
0x6: {  	s28 =	simm.s32 $0x1;
	s29 =	simm.s32 $0x2;
	s30 =	simm.s32 $0x0  }
0x7: {  	s3 =	sand.u32 $0x1, s2;
	s25 =	sshll.u32 s21, $0x1;
	s2 =	simm.s32 $0x0  }
0x8: {  	s12 =	sadd.s32 $0x3500, s13;
	s14 =	sadd.s32 $0x18680, s19;
	s24 =	sor.u32 s3, s25  }
0x9: {  	s15 =	sadd.s32 $0x1D4A0, s19;
	p0 =	sgt.u32 s21, $0x7;
	s4 =	smul.u32 $0x270, s24  }
0xa: {  	s21 =	simm.s32 $0x9C00;
	[smem:$0x7FF] =	sst s2;
	s5 =	smul.u32 $0x1388, s24  }
0xb: {  	s3 =	ssub.s32 $0x2, s3;
	s25 =	simm.s32 $0x7500;
	s16 =	smul.u32 $0x9C0, s24  }
0xc: {  	_ =	strace $0x80000047;
	s18 =	smul.u32 $0x4E2, s24;
	s26 =	sshrl.u32 s3, $0x1  }
0xd: {  	s6 =	smul.u32 $0x2700, s24;
	p1 =	sne.s32 s24, $0x10;
	p2 =	sne.s32 s24, $0x0  }
0xe: {  	s20 =	ssub.s32 s3, s26;
	s26 =	simm.s32 $0x4;
	s9 =	sshrl.u32 s5, $0x3  }
0xf: {  	s7 =	sadd.s32 s4, s13;
	s3 =	sadd.s32 s0, s16;
	s4 =	sadd.s32 s1, s18  }
0x10: {  	s31 =	sshrl.u32 s6, $0x3;
	s16 =	sadd.s32 s19, s16;
	s20 =	smax.u32 s20, $0x1  }
.Ltmp0:
0x11: {  	s8 =	sadd.s32 s9, s13;
	s5 =	sadd.s32 $0xE00, s7;
	(pc) =	sbr.rel .LBB2_1-.Ltmp0, $4  }
0x12: {  	s6 =	sadd.s32 $0x3600, s7;
	s1 =	sadd.s32 s19, s31;
	s11 =	sadd.s32 s17, s9  }
0x13: {  	s13 =	sadd.s32 $0x5D00, s13;
	s17 =	sadd.s32 s17, s18;
	s18 =	sadd.s32 $0x13800, s0  }
0x14: {  	s19 =	sadd.s32 $0x13800, s19;
	s7 =	sadd.s32 $0x5E00, s8;
	s8 =	sadd.s32 $0x13880, s1  }
0x15: {  	s9 =	sadd.s32 $0x186A0, s1;
	s10 =	sadd.s32 $0x9C40, s11;
	s11 =	sadd.s32 $0xC350, s11  }
.LBB2_10:
0x16: {  	[tilespmem:s31], [sflag:$0x3] =	stream.linear.gather [hbm4b:s24+s2], $0x80, $0x38;
	[tilespmem:$0xD780] =	vst v63  }
0x17: {  	_ = 	snop  }
0x18: {  	[tilespmem:s22], [sflag:$0x3] =	stream.linear.gather [hbm4b:s7+s2], $0x1388, $0x38;
	[tilespmem:$0xD780] =	vst v63  }
0x19: {  	_ =	swait.ge [sflag:s23], $0x1380  }
0x1a: {  	[sflag:s23] =	ssyncset.done $0x0  }
0x1b: {  	[sflag:s23] =	ssyncadd.s32 $0xFFFFEC80  }
0x1c: {  	_ =	swait.ge [sflag:s23], $0x1380  }
0x1d: {  	[sflag:s23] =	ssyncset.done $0x0  }
0x1e: {  	[sflag:s23] =	ssyncadd.s32 $0xFFFFEC80  }
0x1f: {  	_ =	swait.ge [sflag:s23], $0x1380  }
0x20: {  	[sflag:s23] =	ssyncset.done $0x0  }
0x21: {  	[sflag:s23] =	ssyncadd.s32 $0xFFFFEC80  }
0x22: {  	_ =	swait.ge [sflag:s23], $0x1380  }
0x23: {  	[sflag:s23] =	ssyncset.done $0x0  }
0x24: {  	[sflag:s23] =	ssyncadd.s32 $0xFFFFEC80  }
0x25: {  	_ =	swait.ge [sflag:s23], $0x1388  }
0x26: {  	[sflag:s23] =	ssyncset.done $0x0  }
0x27: {  	s0 =	simm.s32 $0x4E00;
	[sflag:s23] =	ssyncadd.s32 $0xFFFFEC78  }
0x28: {  	[hbm4b:s8+s2] =	stream.linear.scatter [tilespmem:s0], [sflag:$0x4], $0x2700, $0x38;
	[tilespmem:$0xD780] =	vst v63  }
0x29: {  	_ = 	snop  }
0x2a: {  	[hbm4b:s9+s2] =	stream.linear.scatter [tilespmem:s25], [sflag:$0x4], $0x2700, $0x38;
	[tilespmem:$0xD780] =	vst v63  }
0x2b: {  	_ = 	snop  }
0x2c: {  	[hbm4b:s10+s2] =	stream.linear.scatter [tilespmem:s22], [sflag:$0x4], $0x1388, $0x38;
	[tilespmem:$0xD780] =	vst v63  }
0x2d: {  	_ = 	snop  }
0x2e: {  	[hbm4b:s11+s2] =	stream.linear.scatter [tilespmem:s22], [sflag:$0x4], $0x1388, $0x38;
	[tilespmem:$0xD780] =	vst v63  }
0x2f: {  	_ =	swait.ge [sflag:s26], $0x2700  }
0x30: {  	[sflag:s26] =	ssyncset.done $0x0  }
0x31: {  	[sflag:s26] =	ssyncadd.s32 $0xFFFFD900  }
0x32: {  	_ =	swait.ge [sflag:s26], $0x2700  }
0x33: {  	[sflag:s26] =	ssyncset.done $0x0  }
0x34: {  	[sflag:s26] =	ssyncadd.s32 $0xFFFFD900  }
0x35: {  	_ =	swait.ge [sflag:s26], $0x1388  }
0x36: {  	[sflag:s26] =	ssyncset.done $0x0  }
0x37: {  	[sflag:s26] =	ssyncadd.s32 $0xFFFFEC78  }
0x38: {  	_ =	swait.ge [sflag:s26], $0x1388  }
0x39: {  	[sflag:s26] =	ssyncset.done $0x0  }
0x3a: {  	[sflag:s26] =	ssyncadd.s32 $0xFFFFEC78  }
.LBB2_11:
0x3b: {  	s0 =	simm.s32 @!p1 $0x0;
	s1 =	simm.s32 @!p1 $0x4E00  }
0x3c: {  	[tilespmem:s1], [sflag:$0x3] =	stream.linear.gather @!p1 [hbm4b:s12+s0], $0x80, $0x38;
	[tilespmem:$0xD780] =	vst v63  }
0x3d: {  	s24 =	simm.s32 @!p1 $0x4E80  }
0x3e: {  	[tilespmem:s24], [sflag:$0x3] =	stream.linear.gather @!p1 [hbm4b:s13+s0], $0x80, $0x38;
	[tilespmem:$0xD780] =	vst v63  }
0x3f: {  	s24 =	simm.s32 @!p1 $0x7500  }
0x40: {  	[tilespmem:s24], [sflag:$0x3] =	stream.linear.gather @!p1 [hbm4b:s13+s0], $0x80, $0x38;
	[tilespmem:$0xD780] =	vst v63  }
0x41: {  	s31 =	simm.s32 @!p1 $0x7580  }
0x42: {  	[tilespmem:s31], [sflag:$0x3] =	stream.linear.gather @!p1 [hbm4b:s12+s0], $0x80, $0x38;
	[tilespmem:$0xD780] =	vst v63  }
0x43: {  	s31 =	simm.s32 @!p1 $0x3  }
0x44: {  	_ =	swait.ge @!p1 [sflag:s31], $0x80  }
0x45: {  	[sflag:s31] =	ssyncset.done @!p1 $0x0  }
0x46: {  	[sflag:s31] =	ssyncadd.s32 @!p1 $0xFFFFFF80  }
0x47: {  	_ =	swait.ge @!p1 [sflag:s31], $0x80  }
0x48: {  	[sflag:s31] =	ssyncset.done @!p1 $0x0  }
0x49: {  	[sflag:s31] =	ssyncadd.s32 @!p1 $0xFFFFFF80  }
0x4a: {  	_ =	swait.ge @!p1 [sflag:s31], $0x80  }
0x4b: {  	[sflag:s31] =	ssyncset.done @!p1 $0x0  }
0x4c: {  	[sflag:s31] =	ssyncadd.s32 @!p1 $0xFFFFFF80  }
0x4d: {  	_ =	swait.ge @!p1 [sflag:s31], $0x80  }
0x4e: {  	[sflag:s31] =	ssyncset.done @!p1 $0x0  }
0x4f: {  	[sflag:s31] =	ssyncadd.s32 @!p1 $0xFFFFFF80  }
0x50: {  	[hbm4b:s14+s0] =	stream.linear.scatter @!p1 [tilespmem:s1], [sflag:$0x4], $0x100, $0x38;
	[tilespmem:$0xD780] =	vst v63  }
0x51: {  	_ = 	snop  }
0x52: {  	[hbm4b:s15+s0] =	stream.linear.scatter @!p1 [tilespmem:s24], [sflag:$0x4], $0x100, $0x38;
	[tilespmem:$0xD780] =	vst v63  }
0x53: {  	s0 =	simm.s32 @!p1 $0x4  }
0x54: {  	_ =	swait.ge @!p1 [sflag:s0], $0x100  }
0x55: {  	[sflag:s0] =	ssyncset.done @!p1 $0x0  }
0x56: {  	[sflag:s0] =	ssyncadd.s32 @!p1 $0xFFFFFF00  }
0x57: {  	_ =	swait.ge @!p1 [sflag:s0], $0x100  }
0x58: {  	[sflag:s0] =	ssyncset.done @!p1 $0x0  }
0x59: {  	[sflag:s0] =	ssyncadd.s32 @!p1 $0xFFFFFF00  }
0x5a: {  	_ =	swait.ge [sflag:s28], $0x4E00  }
0x5b: {  	[sflag:s28] =	ssyncset.done $0x0  }
0x5c: {  	[sflag:s28] =	ssyncadd.s32 $0xFFFFB200  }
0x5d: {  	_ =	swait.ge [sflag:s28], $0x2710  }
0x5e: {  	[sflag:s28] =	ssyncset.done $0x0  }
0x5f: {  	[sflag:s28] =	ssyncadd.s32 $0xFFFFD8F0  }
0x60: {  	[hbm4b:s16+s2] =	stream.linear.scatter [tilespmem:s2], [sflag:$0x2], $0x4E00, $0x38;
	[tilespmem:$0xD780] =	vst v63  }
0x61: {  	_ = 	snop  }
0x62: {  	[hbm4b:s17+s2] =	stream.linear.scatter [tilespmem:s21], [sflag:$0x2], $0x2710, $0x38;
	[tilespmem:$0xD780] =	vst v63  }
0x63: {  	_ =	swait.ge [sflag:s29], $0x4E00  }
0x64: {  	[sflag:s29] =	ssyncset.done $0x0  }
0x65: {  	[sflag:s29] =	ssyncadd.s32 $0xFFFFB200  }
0x66: {  	_ =	swait.ge [sflag:s29], $0x2710  }
0x67: {  	[sflag:s29] =	ssyncset.done $0x0  }
0x68: {  	s1 =	simm.s32 @!p2 $0x5;
	s0 =	simm.s32 @!p2 $0x0;
	[sflag:s29] =	ssyncadd.s32 $0xFFFFD8F0  }
0x69: {  	[tilespmem:s0], [sflag:$0x5] =	stream.linear.gather @!p2 [hbm4b:s18+s0], $0x400, $0x38;
	[tilespmem:$0xD780] =	vst v63  }
0x6a: {  	s30 =	sadd.s32 $0x1, s30;
	_ =	swait.ge @!p2 [sflag:s1], $0x400  }
0x6b: {  	p3 =	sne.s32 s30, s20;
	[sflag:s1] =	ssyncset.done @!p2 $0x0  }
.Ltmp1:
0x6c: {  	[sflag:s1] =	ssyncadd.s32 @!p2 $0xFFFFFC00;
	(pc) =	sbr.rel @!p3 .LBB2_12-.Ltmp1, $4  }
0x6d: {  	[hbm4b:s19+s0] =	stream.linear.scatter @!p2 [tilespmem:s0], [sflag:$0x5], $0x400, $0x38;
	[tilespmem:$0xD780] =	vst v63  }
0x6e: {  	_ =	swait.ge @!p2 [sflag:s1], $0x400  }
0x6f: {  	[sflag:s1] =	ssyncset.done @!p2 $0x0  }
0x70: {  	[sflag:s1] =	ssyncadd.s32 @!p2 $0xFFFFFC00  }
.LBB2_1:
.Ltmp2:
0x71: {  	(pc) =	sbr.rel @p0 .LBB2_11-.Ltmp2, $4  }
0x72: {  	_ = 	snop  }
0x73: {  	[tilespmem:s2], [sflag:$0x1] =	stream.linear.gather [hbm4b:s3+s2], $0x4E00, $0x38;
	[tilespmem:$0xD780] =	vst v63  }
0x74: {  	_ = 	snop  }
0x75: {  	[tilespmem:s21], [sflag:$0x1] =	stream.linear.gather [hbm4b:s4+s2], $0x2710, $0x38;
	[tilespmem:$0xD780] =	vst v63  }
0x76: {  	s31 =	simm.s32 $0x4E00  }
0x77: {  	s1 =	simm.s32 $0x10;
	s24 =	sadd.s32 $0x0, s5;
	s0 =	simm.s32 $0x4F00  }
.LBB2_3:
0x78: {  	[tilespmem:s31], [sflag:$0x3] =	stream.linear.gather [hbm4b:s24+s2], $0x80, $0x38;
	[tilespmem:$0xD780] =	vst v63  }
0x79: {  	s24 =	smov.u32 s1;
	s31 =	smov.u32 s0;
	p3 =	sne.s32 s1, $0x260  }
.Ltmp3:
0x7a: {  	s1 =	sadd.s32 $0x10, s1;
	(pc) =	sbr.rel @p3 .LBB2_3-.Ltmp3, $2  }
0x7b: {  	_ =	sdelay $0x2  }
0x7c: {  	s0 =	sadd.s32 $0x100, s0;
	s24 =	sadd.s32 s24, s5  }
0x7d: {  	[tilespmem:s31], [sflag:$0x3] =	stream.linear.gather [hbm4b:s24+s2], $0x80, $0x38;
	[tilespmem:$0xD780] =	vst v63  }
0x7e: {  	s31 =	simm.s32 $0x0;
	s0 =	simm.s32 $0x4E80;
	s1 =	simm.s32 $0x0  }
.LBB2_5:
0x7f: {  	p3 =	sne.s32 s1, $0x260  }
.Ltmp4:
0x80: {  	_ = 	snop;
	(pc) =	sbr.rel @p3 .LBB2_5-.Ltmp4, $4  }
0x81: {  	_ = 	snop  }
0x82: {  	s24 =	sadd.s32 s1, s6  }
0x83: {  	[tilespmem:s0], [sflag:$0x3] =	stream.linear.gather [hbm4b:s24+s31], $0x80, $0x38;
	[tilespmem:$0xD780] =	vst v63  }
0x84: {  	s1 =	sadd.s32 $0x10, s1;
	s0 =	sadd.s32 $0x100, s0  }
0x85: {  	s0 =	simm.s32 $0x7500  }
.LBB2_7:
0x86: {  	p3 =	sne.s32 s31, $0x260  }
.Ltmp5:
0x87: {  	_ = 	snop;
	(pc) =	sbr.rel @p3 .LBB2_7-.Ltmp5, $4  }
0x88: {  	_ = 	snop  }
0x89: {  	s1 =	sadd.s32 s31, s6;
	s24 =	simm.s32 $0x0  }
0x8a: {  	[tilespmem:s0], [sflag:$0x3] =	stream.linear.gather [hbm4b:s1+s24], $0x80, $0x38;
	[tilespmem:$0xD780] =	vst v63  }
0x8b: {  	s31 =	sadd.s32 $0x10, s31;
	s0 =	sadd.s32 $0x100, s0  }
0x8c: {  	s31 =	simm.s32 $0x7580  }
0x8d: {  	s1 =	simm.s32 $0x10;
	s24 =	sadd.s32 $0x0, s5;
	s0 =	simm.s32 $0x7680  }
.LBB2_9:
0x8e: {  	[tilespmem:s31], [sflag:$0x3] =	stream.linear.gather [hbm4b:s24+s2], $0x80, $0x38;
	[tilespmem:$0xD780] =	vst v63  }
0x8f: {  	s24 =	smov.u32 s1;
	s31 =	smov.u32 s0;
	p3 =	sne.s32 s1, $0x260  }
.Ltmp6:
0x90: {  	s1 =	sadd.s32 $0x10, s1;
	(pc) =	sbr.rel @p3 .LBB2_9-.Ltmp6, $2  }
0x91: {  	_ =	sdelay $0x2  }
0x92: {  	s0 =	sadd.s32 $0x100, s0;
	s24 =	sadd.s32 s24, s5  }
.Ltmp7:
0x93: {  	_ = 	snop;
	(pc) =	sbr.rel .LBB2_10-.Ltmp7, $1  }
0x94: {  	_ =	sdelay $0x3  }
.LBB2_12:
0x95: {  	_ =	sfence.sel $0x180000  }
0x96: {  	[bflag:$0x0] =	sbarrier.arrive $0xFFFF  }
0x97: {  	_ =	strace $0x90000047  }
0x98: {  	s0 =	stileid.u32;
	[bflag:$0x2] =	sbarrier.arrive $0xFFFF  }
0x99: {  	p0 =	sne.s32 s0, $0x0;
	s0 =	rddreg [dreg:$0x5]  }
0x9a: {  	s0 =	sadd.s32 @!p0 $0x100000, s0  }
0x9b: {  	[sflag:s0] =	ssyncadd.tile.s32 @!p0 $0x1;
	_ =	shalt  }
.Lfunc_end2:
_tile_overlayer_lowered:
.L_overlay_start_2:
0x9c: {  	(tag) =	ssettag $0x2  }
0x9d: {  	s0 =	rddreg [dreg:$0x0];
	s2 =	stileid.u32  }
0x9e: {  	s1 =	rddreg [dreg:$0x1];
	p0 =	sne.s32 s2, $0x0  }
0x9f: {  	s3 =	rddreg [dreg:$0x2];
	[bflag:$0x3] =	sbarrier.arrive $0xFFFF;
	s2 =	simm.s32 @!p0 $0x1C05  }
0xa0: {  	[timem:s3], [sflag:s2] =	dma.local @!p0 [hbm:s0], s1  }
0xa1: {  	s0 =	simm.s32 @!p0 $0x5  }
0xa2: {  	_ =	swait.ge @!p0 [sflag:s0], s1  }
0xa3: {  	s1 =	ssub.s32 @!p0 $0x0, s1;
	[sflag:s0] =	ssyncset.done @!p0 $0x0  }
0xa4: {  	[sflag:s0] =	ssyncadd.s32 @!p0 s1  }
0xa5: {  	[bflag:$0x3] =	sbarrier.arrive $0xFFFF  }
0xa6: {  	_ =	shalt  }

</sc_bundles>
